<compile_context>
chip_gen: v7x
topology: tpu7x:2x2x1
jax: 0.10.2.dev20260603
libtpu: 0.0.44.dev20260713+nightly
codegen_flags: <defaults>
</compile_context>

<pallas_src>
import functools

import jax
import jax.numpy as jnp
from jax import lax
from jax.experimental import pallas as pl
from jax.experimental.pallas import tpu as pltpu
from jax.experimental.pallas import tpu_sc as plsc

_ALPHA = 0.5
_NC = 2
_NS = 16
_L = 16
_B = 128


def _cdiv(a, b):
    return (a + b - 1) // b


def _chunks(total, step):
    out = []
    off = 0
    while off < total:
        out.append((off, min(step, total - off)))
        off += step
    return out


@functools.lru_cache(maxsize=None)
def _build(N, E, D):
    DH = D // 2
    CH = _cdiv(E, _NS * _B)
    BN = N // 10 if N % 10 == 0 and (N // 10) % 8 == 0 else N
    NG = DH // _L
    NP = _cdiv(N, 128) * 128

    def _mm1_body(z_ref, x_ref, nf_ref, w_ref, o_ref):
        zx = z_ref[...] + x_ref[...]
        y = lax.dot_general(zx, w_ref[...], (((1,), (1,)), ((), ())),
                            preferred_element_type=jnp.float32)
        y = y * nf_ref[...]
        o_ref[0] = y[:, :DH]
        o_ref[1] = y[:, DH:]

    mm1 = pl.pallas_call(
        _mm1_body,
        grid=(N // BN,),
        in_specs=[
            pl.BlockSpec((BN, D), lambda i: (i, 0)),
            pl.BlockSpec((BN, D), lambda i: (i, 0)),
            pl.BlockSpec((BN, 1), lambda i: (i, 0)),
            pl.BlockSpec((D, D), lambda i: (0, 0)),
        ],
        out_specs=pl.BlockSpec((2, BN, DH), lambda i: (0, i, 0)),
        out_shape=jax.ShapeDtypeStruct((2, N, DH), jnp.float32),
    )

    orows = NP // _NS

    def _sc_body(table, rows_h, cols_h, out_h,
                 rs, cs, rgj, cgj, Rb, Cb, acc, sem_r, sem_c):
        c = lax.axis_index("c")
        s = lax.axis_index("s")
        cN = c * N

        pltpu.sync_copy(rows_h.at[s], rs)
        pltpu.sync_copy(cols_h.at[s], cs)

        def _zrow(i, carry):
            for g in range(NG):
                Rb[i, pl.ds(g * _L, _L)] = jnp.zeros((_L,), jnp.float32)
            return carry
        lax.fori_loop(0, _B, _zrow, 0)
        zbase = s * orows
        for off, nrows in _chunks(orows, _B):
            pltpu.sync_copy(Rb.at[pl.ds(0, nrows)],
                            acc.at[pl.ds(zbase + off, nrows)])
        plsc.subcore_barrier()

        def _edge(j, carry):
            for g in range(_B // _L):
                sl = pl.ds(g * _L, _L)
                rgj[sl] = rs[j, sl] + cN
                cgj[sl] = cs[j, sl] + cN
            d1 = pltpu.async_copy(table.at[rgj], Rb, sem_r)
            d2 = pltpu.async_copy(table.at[cgj], Cb, sem_c)
            d1.wait()
            d2.wait()

            def _crow(i, icarry):
                for g in range(NG):
                    sl = pl.ds(g * _L, _L)
                    m = jnp.maximum(Rb[i, sl] - Cb[i, sl], 0.0)
                    Rb[i, sl] = m
                    Cb[i, sl] = -m
                return icarry
            lax.fori_loop(0, _B, _crow, 0)

            pltpu.sync_copy(Rb, acc.at[rs.at[j]], add=True)
            pltpu.sync_copy(Cb, acc.at[cs.at[j]], add=True)
            return carry
        lax.fori_loop(0, CH, _edge, 0)
        plsc.subcore_barrier()

        nbase = s * orows
        pltpu.sync_copy(acc.at[pl.ds(nbase, orows)],
                        out_h.at[c, pl.ds(nbase, orows)])

    sc_edge = pl.kernel(
        _sc_body,
        out_type=jax.ShapeDtypeStruct((2, NP, DH), jnp.float32),
        mesh=plsc.VectorSubcoreMesh(core_axis_name="c", subcore_axis_name="s",
                                    num_cores=_NC, num_subcores=_NS),
        compiler_params=pltpu.CompilerParams(use_tc_tiling_on_sc=False),
        scratch_types=[
            pltpu.VMEM((CH, _B), jnp.int32),
            pltpu.VMEM((CH, _B), jnp.int32),
            pltpu.VMEM((_B,), jnp.int32),
            pltpu.VMEM((_B,), jnp.int32),
            pltpu.VMEM((_B, DH), jnp.float32),
            pltpu.VMEM((_B, DH), jnp.float32),
            pltpu.VMEM_SHARED((NP, DH), jnp.float32),
            pltpu.SemaphoreType.DMA,
            pltpu.SemaphoreType.DMA,
        ],
    )

    def _mm2_body(g_ref, z_ref, nf_ref, w_ref, o_ref):
        nf = nf_ref[...]
        y0 = g_ref[0] * nf
        y1 = g_ref[1] * nf
        acc = lax.dot_general(y0, w_ref[...][:DH, :], (((1,), (0,)), ((), ())),
                              preferred_element_type=jnp.float32)
        acc = acc + lax.dot_general(y1, w_ref[...][DH:, :],
                                    (((1,), (0,)), ((), ())),
                                    preferred_element_type=jnp.float32)
        o_ref[...] = (1.0 - _ALPHA) * z_ref[...] - _ALPHA * acc

    mm2 = pl.pallas_call(
        _mm2_body,
        grid=(N // BN,),
        in_specs=[
            pl.BlockSpec((2, BN, DH), lambda i: (0, i, 0)),
            pl.BlockSpec((BN, D), lambda i: (i, 0)),
            pl.BlockSpec((BN, 1), lambda i: (i, 0)),
            pl.BlockSpec((D, D), lambda i: (0, 0)),
        ],
        out_specs=pl.BlockSpec((BN, D), lambda i: (i, 0)),
        out_shape=jax.ShapeDtypeStruct((N, D), jnp.float32),
    )

    return mm1, sc_edge, mm2, CH


def kernel(z, x, edge_index, norm_factor, batch, W):
    del batch
    N, D = z.shape
    E = edge_index.shape[1]
    mm1, sc_edge, mm2, CH = _build(N, E, D)

    a2 = mm1(z, x, norm_factor, W)
    table = a2.reshape(2 * N, D // 2)

    epad = _NS * CH * _B
    rows = jnp.pad(edge_index[0], (0, epad - E)).reshape(_NS, CH, _B)
    cols = jnp.pad(edge_index[1], (0, epad - E)).reshape(_NS, CH, _B)

    g = sc_edge(table, rows, cols)
    return mm2(g, z, norm_factor, W)

# --- scband reference (transcript-rebuilt; emitter-appended) ---
"""Pipeline reference for scband-implicit-func-2989297238463 (READ-ONLY COPY).

The authoritative reference and input builder live on the scoring server;
editing this copy changes nothing except your own understanding.
"""

import jax, jax.numpy as jnp
import numpy as np

N = 10000
E = 320000
D = 128
ALPHA = 0.5


def setup_inputs(seed: int = 0) -> dict:
    key = jax.random.key(seed)
    k1, k2, k3, k4, k5 = jax.random.split(key, 5)
    z = jax.random.normal(k1, (N, D), dtype=jnp.float32)
    x = jax.random.normal(k2, (N, D), dtype=jnp.float32)
    edge_index = jax.random.randint(k3, (2, E), 0, N, dtype=jnp.int32)
    norm_factor = jax.random.uniform(k4, (N, 1), dtype=jnp.float32)
    batch = jnp.zeros((N,), dtype=jnp.int32)
    # nn.Linear(hidden, hidden, bias=False) weight, shape [out, in]
    W = jax.random.normal(k5, (D, D), dtype=jnp.float32) * (1.0 / np.sqrt(D))
    return {"z": z, "x": x, "edge_index": edge_index, "norm_factor": norm_factor, "batch": batch, "W": W}


def reference(z, x, edge_index, norm_factor, batch, W):
    # rescale=False -> degree = 1.0; double_linear=False -> WzUx = W(z + x)
    row = edge_index[0]
    col = edge_index[1]
    WzUx = (z + x) @ W.T  # torch Linear: y = inp @ weight.T
    WzUx = norm_factor * WzUx
    msg = jnp.take(WzUx, row, axis=0) - jnp.take(WzUx, col, axis=0)
    # act = relu; norm = lambda d: (lambda x, b=None: x)  (identity, ignores batch)
    msg = jax.nn.relu(msg)
    nf_row = jnp.take(norm_factor, row, axis=0)
    nf_col = jnp.take(norm_factor, col, axis=0)
    new_z = jax.ops.segment_sum(msg * nf_row, row, num_segments=N)
    new_z = new_z - jax.ops.segment_sum(msg * nf_col, col, num_segments=N)
    # F.linear(new_z, W.t()) = new_z @ W
    new_z = -(new_z @ W)
    # VariationalHidDropout(0.0) -> identity
    z_out = ALPHA * new_z + (1.0 - ALPHA) * z
    return z_out

if __name__ == "__main__":
    import jax
    _d = setup_inputs()
    print(jax.jit(kernel)(*tuple(_d.values())))

</pallas_src>

<mosaic_0001>
#map = affine_map<(d0, d1) -> (0, 0)>
#map1 = affine_map<(d0, d1) -> (0, 0, 0)>
module attributes {stable_mosaic.version = 14 : i64} {
  func.func @_sc_body(%arg0: i32, %arg1: i32, %arg2: memref<20000x64xf32, #tpu.memory_space<hbm>>, %arg3: memref<16x157x128xi32, #tpu.memory_space<hbm>>, %arg4: memref<16x157x128xi32, #tpu.memory_space<hbm>>, %arg5: memref<2x10112x64xf32, #tpu.memory_space<hbm>>, %arg6: memref<157x128xi32, #tpu.memory_space<vmem>>, %arg7: memref<157x128xi32, #tpu.memory_space<vmem>>, %arg8: memref<128xi32, #tpu.memory_space<vmem>>, %arg9: memref<128xi32, #tpu.memory_space<vmem>>, %arg10: memref<128x64xf32, #tpu.memory_space<vmem>>, %arg11: memref<128x64xf32, #tpu.memory_space<vmem>>, %arg12: memref<10112x64xf32, #tpu.memory_space<vmem_shared>>, %arg13: memref<!tpu.dma_semaphore, #tpu.memory_space<semaphore_mem>>, %arg14: memref<!tpu.dma_semaphore, #tpu.memory_space<semaphore_mem>>) attributes {dimension_semantics = [#tpu.dimension_semantics<core_parallel>, #tpu.dimension_semantics<subcore_parallel>], iteration_bounds = array<i64: 2, 16>, scalar_prefetch = 0 : i64, scratch_operands = 9 : i64, tpu.core_type = #tpu.core_type<sc_vector_subcore>, window_params = [{transform_indices = #map}, {transform_indices = #map1}, {transform_indices = #map1}, {transform_indices = #map1}]} {
    %mul3A = arith.constant 10000 : i32
    %mul3A_0 = arith.muli %arg0, %mul3A : i32
    "tpu.region"() ({
      %run_scoped3A = tpu.sem_alloc : memref<!tpu.dma_semaphore, #tpu.memory_space<semaphore_mem>>
      %dma_start3A = arith.constant 0 : i32
      %dma_start3A_26 = arith.constant 0 : i32
      %dma_start3A_27 = tpu.memref_slice %arg3[%arg1, %dma_start3A, %dma_start3A_26] : memref<16x157x128xi32, #tpu.memory_space<hbm>> -> memref<1x157x128xi32, #tpu.memory_space<hbm>>
      %dma_start3A_28 = tpu.memref_squeeze %dma_start3A_27 : memref<1x157x128xi32, #tpu.memory_space<hbm>> -> memref<157x128xi32, #tpu.memory_space<hbm>>
      %dma_start3A_29 = arith.constant 0 : i32
      %dma_start3A_30 = arith.constant 0 : i32
      %dma_start3A_31 = tpu.memref_slice %arg3[%arg1, %dma_start3A_29, %dma_start3A_30] : memref<16x157x128xi32, #tpu.memory_space<hbm>> -> memref<1x157x128xi32, #tpu.memory_space<hbm>>
      %dma_start3A_32 = tpu.memref_squeeze %dma_start3A_31 : memref<1x157x128xi32, #tpu.memory_space<hbm>> -> memref<157x128xi32, #tpu.memory_space<hbm>>
      tpu.enqueue_dma source(%dma_start3A_32 : memref<157x128xi32, #tpu.memory_space<hbm>>) target(%arg6 : memref<157x128xi32, #tpu.memory_space<vmem>>) target_semaphore(%run_scoped3A : memref<!tpu.dma_semaphore, #tpu.memory_space<semaphore_mem>>)
      %dma_wait3A = arith.constant 0 : i32
      %dma_wait3A_33 = arith.constant 0 : i32
      %dma_wait3A_34 = tpu.memref_slice %arg3[%arg1, %dma_wait3A, %dma_wait3A_33] : memref<16x157x128xi32, #tpu.memory_space<hbm>> -> memref<1x157x128xi32, #tpu.memory_space<hbm>>
      %dma_wait3A_35 = tpu.memref_squeeze %dma_wait3A_34 : memref<1x157x128xi32, #tpu.memory_space<hbm>> -> memref<157x128xi32, #tpu.memory_space<hbm>>
      %dma_wait3A_36 = arith.constant 0 : i32
      %dma_wait3A_37 = arith.constant 0 : i32
      %dma_wait3A_38 = tpu.memref_slice %arg3[%arg1, %dma_wait3A_36, %dma_wait3A_37] : memref<16x157x128xi32, #tpu.memory_space<hbm>> -> memref<1x157x128xi32, #tpu.memory_space<hbm>>
      %dma_wait3A_39 = tpu.memref_squeeze %dma_wait3A_38 : memref<1x157x128xi32, #tpu.memory_space<hbm>> -> memref<157x128xi32, #tpu.memory_space<hbm>>
      tpu.wait_dma2 semaphore(%run_scoped3A : memref<!tpu.dma_semaphore, #tpu.memory_space<semaphore_mem>>) src(%dma_wait3A_39 : memref<157x128xi32, #tpu.memory_space<hbm>>) dst(%arg6 : memref<157x128xi32, #tpu.memory_space<vmem>>)
      tpu.yield
    }) : () -> ()
    "tpu.region"() ({
      %run_scoped3A = tpu.sem_alloc : memref<!tpu.dma_semaphore, #tpu.memory_space<semaphore_mem>>
      %dma_start3A = arith.constant 0 : i32
      %dma_start3A_26 = arith.constant 0 : i32
      %dma_start3A_27 = tpu.memref_slice %arg4[%arg1, %dma_start3A, %dma_start3A_26] : memref<16x157x128xi32, #tpu.memory_space<hbm>> -> memref<1x157x128xi32, #tpu.memory_space<hbm>>
      %dma_start3A_28 = tpu.memref_squeeze %dma_start3A_27 : memref<1x157x128xi32, #tpu.memory_space<hbm>> -> memref<157x128xi32, #tpu.memory_space<hbm>>
      %dma_start3A_29 = arith.constant 0 : i32
      %dma_start3A_30 = arith.constant 0 : i32
      %dma_start3A_31 = tpu.memref_slice %arg4[%arg1, %dma_start3A_29, %dma_start3A_30] : memref<16x157x128xi32, #tpu.memory_space<hbm>> -> memref<1x157x128xi32, #tpu.memory_space<hbm>>
      %dma_start3A_32 = tpu.memref_squeeze %dma_start3A_31 : memref<1x157x128xi32, #tpu.memory_space<hbm>> -> memref<157x128xi32, #tpu.memory_space<hbm>>
      tpu.enqueue_dma source(%dma_start3A_32 : memref<157x128xi32, #tpu.memory_space<hbm>>) target(%arg7 : memref<157x128xi32, #tpu.memory_space<vmem>>) target_semaphore(%run_scoped3A : memref<!tpu.dma_semaphore, #tpu.memory_space<semaphore_mem>>)
      %dma_wait3A = arith.constant 0 : i32
      %dma_wait3A_33 = arith.constant 0 : i32
      %dma_wait3A_34 = tpu.memref_slice %arg4[%arg1, %dma_wait3A, %dma_wait3A_33] : memref<16x157x128xi32, #tpu.memory_space<hbm>> -> memref<1x157x128xi32, #tpu.memory_space<hbm>>
      %dma_wait3A_35 = tpu.memref_squeeze %dma_wait3A_34 : memref<1x157x128xi32, #tpu.memory_space<hbm>> -> memref<157x128xi32, #tpu.memory_space<hbm>>
      %dma_wait3A_36 = arith.constant 0 : i32
      %dma_wait3A_37 = arith.constant 0 : i32
      %dma_wait3A_38 = tpu.memref_slice %arg4[%arg1, %dma_wait3A_36, %dma_wait3A_37] : memref<16x157x128xi32, #tpu.memory_space<hbm>> -> memref<1x157x128xi32, #tpu.memory_space<hbm>>
      %dma_wait3A_39 = tpu.memref_squeeze %dma_wait3A_38 : memref<1x157x128xi32, #tpu.memory_space<hbm>> -> memref<157x128xi32, #tpu.memory_space<hbm>>
      tpu.wait_dma2 semaphore(%run_scoped3A : memref<!tpu.dma_semaphore, #tpu.memory_space<semaphore_mem>>) src(%dma_wait3A_39 : memref<157x128xi32, #tpu.memory_space<hbm>>) dst(%arg7 : memref<157x128xi32, #tpu.memory_space<vmem>>)
      tpu.yield
    }) : () -> ()
    %scan3A = arith.constant 0 : i32
    %scan3A_1 = arith.constant 0 : i32
    %scan3A_2 = arith.constant 128 : i32
    %scan3A_3 = arith.addi %scan3A_1, %scan3A_2 : i32
    %scan3A_4 = arith.constant 1 : i32
    scf.for %scan3A_26 = %scan3A_1 to %scan3A_3 step %scan3A_4  : i32 {
      %broadcast_in_dim3A = arith.constant 0.000000e+00 : f32
      %broadcast_in_dim3A_27 = vector.broadcast %broadcast_in_dim3A : f32 to vector<16xf32>
      %swap3A = arith.index_cast %scan3A_26 : i32 to index
      %swap3A_28 = arith.constant 0 : index
      %swap3A_29 = tpu.vector_load %arg10[%swap3A, %swap3A_28] {strides = array<i32>} : memref<128x64xf32, #tpu.memory_space<vmem>>, vector<1x16xf32>,
      %swap3A_30 = vector.shape_cast %swap3A_29 : vector<1x16xf32> to vector<16xf32>
      %swap3A_31 = vector.shape_cast %broadcast_in_dim3A_27 : vector<16xf32> to vector<1x16xf32>
      tpu.vector_store %arg10[%swap3A, %swap3A_28], %swap3A_31 {strides = array<i32>} : memref<128x64xf32, #tpu.memory_space<vmem>>, vector<1x16xf32>,
      %broadcast_in_dim3A_32 = arith.constant 0.000000e+00 : f32
      %broadcast_in_dim3A_33 = vector.broadcast %broadcast_in_dim3A_32 : f32 to vector<16xf32>
      %swap3A_34 = arith.index_cast %scan3A_26 : i32 to index
      %swap3A_35 = arith.constant 16 : index
      %swap3A_36 = tpu.vector_load %arg10[%swap3A_34, %swap3A_35] {strides = array<i32>} : memref<128x64xf32, #tpu.memory_space<vmem>>, vector<1x16xf32>,
      %swap3A_37 = vector.shape_cast %swap3A_36 : vector<1x16xf32> to vector<16xf32>
      %swap3A_38 = vector.shape_cast %broadcast_in_dim3A_33 : vector<16xf32> to vector<1x16xf32>
      tpu.vector_store %arg10[%swap3A_34, %swap3A_35], %swap3A_38 {strides = array<i32>} : memref<128x64xf32, #tpu.memory_space<vmem>>, vector<1x16xf32>,
      %broadcast_in_dim3A_39 = arith.constant 0.000000e+00 : f32
      %broadcast_in_dim3A_40 = vector.broadcast %broadcast_in_dim3A_39 : f32 to vector<16xf32>
      %swap3A_41 = arith.index_cast %scan3A_26 : i32 to index
      %swap3A_42 = arith.constant 32 : index
      %swap3A_43 = tpu.vector_load %arg10[%swap3A_41, %swap3A_42] {strides = array<i32>} : memref<128x64xf32, #tpu.memory_space<vmem>>, vector<1x16xf32>,
      %swap3A_44 = vector.shape_cast %swap3A_43 : vector<1x16xf32> to vector<16xf32>
      %swap3A_45 = vector.shape_cast %broadcast_in_dim3A_40 : vector<16xf32> to vector<1x16xf32>
      tpu.vector_store %arg10[%swap3A_41, %swap3A_42], %swap3A_45 {strides = array<i32>} : memref<128x64xf32, #tpu.memory_space<vmem>>, vector<1x16xf32>,
      %broadcast_in_dim3A_46 = arith.constant 0.000000e+00 : f32
      %broadcast_in_dim3A_47 = vector.broadcast %broadcast_in_dim3A_46 : f32 to vector<16xf32>
      %swap3A_48 = arith.index_cast %scan3A_26 : i32 to index
      %swap3A_49 = arith.constant 48 : index
      %swap3A_50 = tpu.vector_load %arg10[%swap3A_48, %swap3A_49] {strides = array<i32>} : memref<128x64xf32, #tpu.memory_space<vmem>>, vector<1x16xf32>,
      %swap3A_51 = vector.shape_cast %swap3A_50 : vector<1x16xf32> to vector<16xf32>
      %swap3A_52 = vector.shape_cast %broadcast_in_dim3A_47 : vector<16xf32> to vector<1x16xf32>
      tpu.vector_store %arg10[%swap3A_48, %swap3A_49], %swap3A_52 {strides = array<i32>} : memref<128x64xf32, #tpu.memory_space<vmem>>, vector<1x16xf32>,
    }
    %scan3A_5 = arith.constant 128 : i32
    %mul3A_6 = arith.constant 632 : i32
    %mul3A_7 = arith.muli %arg1, %mul3A_6 : i32
    %add3A = arith.constant 0 : i32
    %add3A_8 = arith.addi %mul3A_7, %add3A : i32
    "tpu.region"() ({
      %run_scoped3A = tpu.sem_alloc : memref<!tpu.dma_semaphore, #tpu.memory_space<semaphore_mem>>
      %dma_start3A = arith.constant 0 : i32
      %dma_start3A_26 = arith.constant 0 : i32
      %dma_start3A_27 = tpu.memref_slice %arg10[%dma_start3A, %dma_start3A_26] : memref<128x64xf32, #tpu.memory_space<vmem>> -> memref<128x64xf32, #tpu.memory_space<vmem>>
      %dma_start3A_28 = arith.constant 0 : i32
      %dma_start3A_29 = tpu.memref_slice %arg12[%add3A_8, %dma_start3A_28] : memref<10112x64xf32, #tpu.memory_space<vmem_shared>> -> memref<128x64xf32, #tpu.memory_space<vmem_shared>>
      %dma_start3A_30 = arith.constant 0 : i32
      %dma_start3A_31 = tpu.memref_slice %arg12[%add3A_8, %dma_start3A_30] : memref<10112x64xf32, #tpu.memory_space<vmem_shared>> -> memref<128x64xf32, #tpu.memory_space<vmem_shared>>
      %dma_start3A_32 = arith.constant 0 : i32
      %dma_start3A_33 = arith.constant 0 : i32
      %dma_start3A_34 = tpu.memref_slice %arg10[%dma_start3A_32, %dma_start3A_33] : memref<128x64xf32, #tpu.memory_space<vmem>> -> memref<128x64xf32, #tpu.memory_space<vmem>>
      tpu.enqueue_dma source(%dma_start3A_34 : memref<128x64xf32, #tpu.memory_space<vmem>>) target(%dma_start3A_31 : memref<128x64xf32, #tpu.memory_space<vmem_shared>>) target_semaphore(%run_scoped3A : memref<!tpu.dma_semaphore, #tpu.memory_space<semaphore_mem>>)
      %dma_wait3A = arith.constant 0 : i32
      %dma_wait3A_35 = arith.constant 0 : i32
      %dma_wait3A_36 = tpu.memref_slice %arg10[%dma_wait3A, %dma_wait3A_35] : memref<128x64xf32, #tpu.memory_space<vmem>> -> memref<128x64xf32, #tpu.memory_space<vmem>>
      %dma_wait3A_37 = arith.constant 0 : i32
      %dma_wait3A_38 = tpu.memref_slice %arg12[%add3A_8, %dma_wait3A_37] : memref<10112x64xf32, #tpu.memory_space<vmem_shared>> -> memref<128x64xf32, #tpu.memory_space<vmem_shared>>
      %dma_wait3A_39 = arith.constant 0 : i32
      %dma_wait3A_40 = tpu.memref_slice %arg12[%add3A_8, %dma_wait3A_39] : memref<10112x64xf32, #tpu.memory_space<vmem_shared>> -> memref<128x64xf32, #tpu.memory_space<vmem_shared>>
      %dma_wait3A_41 = arith.constant 0 : i32
      %dma_wait3A_42 = arith.constant 0 : i32
      %dma_wait3A_43 = tpu.memref_slice %arg10[%dma_wait3A_41, %dma_wait3A_42] : memref<128x64xf32, #tpu.memory_space<vmem>> -> memref<128x64xf32, #tpu.memory_space<vmem>>
      tpu.wait_dma2 semaphore(%run_scoped3A : memref<!tpu.dma_semaphore, #tpu.memory_space<semaphore_mem>>) src(%dma_wait3A_43 : memref<128x64xf32, #tpu.memory_space<vmem>>) dst(%dma_wait3A_40 : memref<128x64xf32, #tpu.memory_space<vmem_shared>>)
      tpu.yield
    }) : () -> ()
    %add3A_9 = arith.constant 128 : i32
    %add3A_10 = arith.addi %mul3A_7, %add3A_9 : i32
    "tpu.region"() ({
      %run_scoped3A = tpu.sem_alloc : memref<!tpu.dma_semaphore, #tpu.memory_space<semaphore_mem>>
      %dma_start3A = arith.constant 0 : i32
      %dma_start3A_26 = arith.constant 0 : i32
      %dma_start3A_27 = tpu.memref_slice %arg10[%dma_start3A, %dma_start3A_26] : memref<128x64xf32, #tpu.memory_space<vmem>> -> memref<128x64xf32, #tpu.memory_space<vmem>>
      %dma_start3A_28 = arith.constant 0 : i32
      %dma_start3A_29 = tpu.memref_slice %arg12[%add3A_10, %dma_start3A_28] : memref<10112x64xf32, #tpu.memory_space<vmem_shared>> -> memref<128x64xf32, #tpu.memory_space<vmem_shared>>
      %dma_start3A_30 = arith.constant 0 : i32
      %dma_start3A_31 = tpu.memref_slice %arg12[%add3A_10, %dma_start3A_30] : memref<10112x64xf32, #tpu.memory_space<vmem_shared>> -> memref<128x64xf32, #tpu.memory_space<vmem_shared>>
      %dma_start3A_32 = arith.constant 0 : i32
      %dma_start3A_33 = arith.constant 0 : i32
      %dma_start3A_34 = tpu.memref_slice %arg10[%dma_start3A_32, %dma_start3A_33] : memref<128x64xf32, #tpu.memory_space<vmem>> -> memref<128x64xf32, #tpu.memory_space<vmem>>
      tpu.enqueue_dma source(%dma_start3A_34 : memref<128x64xf32, #tpu.memory_space<vmem>>) target(%dma_start3A_31 : memref<128x64xf32, #tpu.memory_space<vmem_shared>>) target_semaphore(%run_scoped3A : memref<!tpu.dma_semaphore, #tpu.memory_space<semaphore_mem>>)
      %dma_wait3A = arith.constant 0 : i32
      %dma_wait3A_35 = arith.constant 0 : i32
      %dma_wait3A_36 = tpu.memref_slice %arg10[%dma_wait3A, %dma_wait3A_35] : memref<128x64xf32, #tpu.memory_space<vmem>> -> memref<128x64xf32, #tpu.memory_space<vmem>>
      %dma_wait3A_37 = arith.constant 0 : i32
      %dma_wait3A_38 = tpu.memref_slice %arg12[%add3A_10, %dma_wait3A_37] : memref<10112x64xf32, #tpu.memory_space<vmem_shared>> -> memref<128x64xf32, #tpu.memory_space<vmem_shared>>
      %dma_wait3A_39 = arith.constant 0 : i32
      %dma_wait3A_40 = tpu.memref_slice %arg12[%add3A_10, %dma_wait3A_39] : memref<10112x64xf32, #tpu.memory_space<vmem_shared>> -> memref<128x64xf32, #tpu.memory_space<vmem_shared>>
      %dma_wait3A_41 = arith.constant 0 : i32
      %dma_wait3A_42 = arith.constant 0 : i32
      %dma_wait3A_43 = tpu.memref_slice %arg10[%dma_wait3A_41, %dma_wait3A_42] : memref<128x64xf32, #tpu.memory_space<vmem>> -> memref<128x64xf32, #tpu.memory_space<vmem>>
      tpu.wait_dma2 semaphore(%run_scoped3A : memref<!tpu.dma_semaphore, #tpu.memory_space<semaphore_mem>>) src(%dma_wait3A_43 : memref<128x64xf32, #tpu.memory_space<vmem>>) dst(%dma_wait3A_40 : memref<128x64xf32, #tpu.memory_space<vmem_shared>>)
      tpu.yield
    }) : () -> ()
    %add3A_11 = arith.constant 256 : i32
    %add3A_12 = arith.addi %mul3A_7, %add3A_11 : i32
    "tpu.region"() ({
      %run_scoped3A = tpu.sem_alloc : memref<!tpu.dma_semaphore, #tpu.memory_space<semaphore_mem>>
      %dma_start3A = arith.constant 0 : i32
      %dma_start3A_26 = arith.constant 0 : i32
      %dma_start3A_27 = tpu.memref_slice %arg10[%dma_start3A, %dma_start3A_26] : memref<128x64xf32, #tpu.memory_space<vmem>> -> memref<128x64xf32, #tpu.memory_space<vmem>>
      %dma_start3A_28 = arith.constant 0 : i32
      %dma_start3A_29 = tpu.memref_slice %arg12[%add3A_12, %dma_start3A_28] : memref<10112x64xf32, #tpu.memory_space<vmem_shared>> -> memref<128x64xf32, #tpu.memory_space<vmem_shared>>
      %dma_start3A_30 = arith.constant 0 : i32
      %dma_start3A_31 = tpu.memref_slice %arg12[%add3A_12, %dma_start3A_30] : memref<10112x64xf32, #tpu.memory_space<vmem_shared>> -> memref<128x64xf32, #tpu.memory_space<vmem_shared>>
      %dma_start3A_32 = arith.constant 0 : i32
      %dma_start3A_33 = arith.constant 0 : i32
      %dma_start3A_34 = tpu.memref_slice %arg10[%dma_start3A_32, %dma_start3A_33] : memref<128x64xf32, #tpu.memory_space<vmem>> -> memref<128x64xf32, #tpu.memory_space<vmem>>
      tpu.enqueue_dma source(%dma_start3A_34 : memref<128x64xf32, #tpu.memory_space<vmem>>) target(%dma_start3A_31 : memref<128x64xf32, #tpu.memory_space<vmem_shared>>) target_semaphore(%run_scoped3A : memref<!tpu.dma_semaphore, #tpu.memory_space<semaphore_mem>>)
      %dma_wait3A = arith.constant 0 : i32
      %dma_wait3A_35 = arith.constant 0 : i32
      %dma_wait3A_36 = tpu.memref_slice %arg10[%dma_wait3A, %dma_wait3A_35] : memref<128x64xf32, #tpu.memory_space<vmem>> -> memref<128x64xf32, #tpu.memory_space<vmem>>
      %dma_wait3A_37 = arith.constant 0 : i32
      %dma_wait3A_38 = tpu.memref_slice %arg12[%add3A_12, %dma_wait3A_37] : memref<10112x64xf32, #tpu.memory_space<vmem_shared>> -> memref<128x64xf32, #tpu.memory_space<vmem_shared>>
      %dma_wait3A_39 = arith.constant 0 : i32
      %dma_wait3A_40 = tpu.memref_slice %arg12[%add3A_12, %dma_wait3A_39] : memref<10112x64xf32, #tpu.memory_space<vmem_shared>> -> memref<128x64xf32, #tpu.memory_space<vmem_shared>>
      %dma_wait3A_41 = arith.constant 0 : i32
      %dma_wait3A_42 = arith.constant 0 : i32
      %dma_wait3A_43 = tpu.memref_slice %arg10[%dma_wait3A_41, %dma_wait3A_42] : memref<128x64xf32, #tpu.memory_space<vmem>> -> memref<128x64xf32, #tpu.memory_space<vmem>>
      tpu.wait_dma2 semaphore(%run_scoped3A : memref<!tpu.dma_semaphore, #tpu.memory_space<semaphore_mem>>) src(%dma_wait3A_43 : memref<128x64xf32, #tpu.memory_space<vmem>>) dst(%dma_wait3A_40 : memref<128x64xf32, #tpu.memory_space<vmem_shared>>)
      tpu.yield
    }) : () -> ()
    %add3A_13 = arith.constant 384 : i32
    %add3A_14 = arith.addi %mul3A_7, %add3A_13 : i32
    "tpu.region"() ({
      %run_scoped3A = tpu.sem_alloc : memref<!tpu.dma_semaphore, #tpu.memory_space<semaphore_mem>>
      %dma_start3A = arith.constant 0 : i32
      %dma_start3A_26 = arith.constant 0 : i32
      %dma_start3A_27 = tpu.memref_slice %arg10[%dma_start3A, %dma_start3A_26] : memref<128x64xf32, #tpu.memory_space<vmem>> -> memref<128x64xf32, #tpu.memory_space<vmem>>
      %dma_start3A_28 = arith.constant 0 : i32
      %dma_start3A_29 = tpu.memref_slice %arg12[%add3A_14, %dma_start3A_28] : memref<10112x64xf32, #tpu.memory_space<vmem_shared>> -> memref<128x64xf32, #tpu.memory_space<vmem_shared>>
      %dma_start3A_30 = arith.constant 0 : i32
      %dma_start3A_31 = tpu.memref_slice %arg12[%add3A_14, %dma_start3A_30] : memref<10112x64xf32, #tpu.memory_space<vmem_shared>> -> memref<128x64xf32, #tpu.memory_space<vmem_shared>>
      %dma_start3A_32 = arith.constant 0 : i32
      %dma_start3A_33 = arith.constant 0 : i32
      %dma_start3A_34 = tpu.memref_slice %arg10[%dma_start3A_32, %dma_start3A_33] : memref<128x64xf32, #tpu.memory_space<vmem>> -> memref<128x64xf32, #tpu.memory_space<vmem>>
      tpu.enqueue_dma source(%dma_start3A_34 : memref<128x64xf32, #tpu.memory_space<vmem>>) target(%dma_start3A_31 : memref<128x64xf32, #tpu.memory_space<vmem_shared>>) target_semaphore(%run_scoped3A : memref<!tpu.dma_semaphore, #tpu.memory_space<semaphore_mem>>)
      %dma_wait3A = arith.constant 0 : i32
      %dma_wait3A_35 = arith.constant 0 : i32
      %dma_wait3A_36 = tpu.memref_slice %arg10[%dma_wait3A, %dma_wait3A_35] : memref<128x64xf32, #tpu.memory_space<vmem>> -> memref<128x64xf32, #tpu.memory_space<vmem>>
      %dma_wait3A_37 = arith.constant 0 : i32
      %dma_wait3A_38 = tpu.memref_slice %arg12[%add3A_14, %dma_wait3A_37] : memref<10112x64xf32, #tpu.memory_space<vmem_shared>> -> memref<128x64xf32, #tpu.memory_space<vmem_shared>>
      %dma_wait3A_39 = arith.constant 0 : i32
      %dma_wait3A_40 = tpu.memref_slice %arg12[%add3A_14, %dma_wait3A_39] : memref<10112x64xf32, #tpu.memory_space<vmem_shared>> -> memref<128x64xf32, #tpu.memory_space<vmem_shared>>
      %dma_wait3A_41 = arith.constant 0 : i32
      %dma_wait3A_42 = arith.constant 0 : i32
      %dma_wait3A_43 = tpu.memref_slice %arg10[%dma_wait3A_41, %dma_wait3A_42] : memref<128x64xf32, #tpu.memory_space<vmem>> -> memref<128x64xf32, #tpu.memory_space<vmem>>
      tpu.wait_dma2 semaphore(%run_scoped3A : memref<!tpu.dma_semaphore, #tpu.memory_space<semaphore_mem>>) src(%dma_wait3A_43 : memref<128x64xf32, #tpu.memory_space<vmem>>) dst(%dma_wait3A_40 : memref<128x64xf32, #tpu.memory_space<vmem_shared>>)
      tpu.yield
    }) : () -> ()
    %add3A_15 = arith.constant 512 : i32
    %add3A_16 = arith.addi %mul3A_7, %add3A_15 : i32
    "tpu.region"() ({
      %run_scoped3A = tpu.sem_alloc : memref<!tpu.dma_semaphore, #tpu.memory_space<semaphore_mem>>
      %dma_start3A = arith.constant 0 : i32
      %dma_start3A_26 = arith.constant 0 : i32
      %dma_start3A_27 = tpu.memref_slice %arg10[%dma_start3A, %dma_start3A_26] : memref<128x64xf32, #tpu.memory_space<vmem>> -> memref<120x64xf32, #tpu.memory_space<vmem>>
      %dma_start3A_28 = arith.constant 0 : i32
      %dma_start3A_29 = tpu.memref_slice %arg12[%add3A_16, %dma_start3A_28] : memref<10112x64xf32, #tpu.memory_space<vmem_shared>> -> memref<120x64xf32, #tpu.memory_space<vmem_shared>>
      %dma_start3A_30 = arith.constant 0 : i32
      %dma_start3A_31 = tpu.memref_slice %arg12[%add3A_16, %dma_start3A_30] : memref<10112x64xf32, #tpu.memory_space<vmem_shared>> -> memref<120x64xf32, #tpu.memory_space<vmem_shared>>
      %dma_start3A_32 = arith.constant 0 : i32
      %dma_start3A_33 = arith.constant 0 : i32
      %dma_start3A_34 = tpu.memref_slice %arg10[%dma_start3A_32, %dma_start3A_33] : memref<128x64xf32, #tpu.memory_space<vmem>> -> memref<120x64xf32, #tpu.memory_space<vmem>>
      tpu.enqueue_dma source(%dma_start3A_34 : memref<120x64xf32, #tpu.memory_space<vmem>>) target(%dma_start3A_31 : memref<120x64xf32, #tpu.memory_space<vmem_shared>>) target_semaphore(%run_scoped3A : memref<!tpu.dma_semaphore, #tpu.memory_space<semaphore_mem>>)
      %dma_wait3A = arith.constant 0 : i32
      %dma_wait3A_35 = arith.constant 0 : i32
      %dma_wait3A_36 = tpu.memref_slice %arg10[%dma_wait3A, %dma_wait3A_35] : memref<128x64xf32, #tpu.memory_space<vmem>> -> memref<120x64xf32, #tpu.memory_space<vmem>>
      %dma_wait3A_37 = arith.constant 0 : i32
      %dma_wait3A_38 = tpu.memref_slice %arg12[%add3A_16, %dma_wait3A_37] : memref<10112x64xf32, #tpu.memory_space<vmem_shared>> -> memref<120x64xf32, #tpu.memory_space<vmem_shared>>
      %dma_wait3A_39 = arith.constant 0 : i32
      %dma_wait3A_40 = tpu.memref_slice %arg12[%add3A_16, %dma_wait3A_39] : memref<10112x64xf32, #tpu.memory_space<vmem_shared>> -> memref<120x64xf32, #tpu.memory_space<vmem_shared>>
      %dma_wait3A_41 = arith.constant 0 : i32
      %dma_wait3A_42 = arith.constant 0 : i32
      %dma_wait3A_43 = tpu.memref_slice %arg10[%dma_wait3A_41, %dma_wait3A_42] : memref<128x64xf32, #tpu.memory_space<vmem>> -> memref<120x64xf32, #tpu.memory_space<vmem>>
      tpu.wait_dma2 semaphore(%run_scoped3A : memref<!tpu.dma_semaphore, #tpu.memory_space<semaphore_mem>>) src(%dma_wait3A_43 : memref<120x64xf32, #tpu.memory_space<vmem>>) dst(%dma_wait3A_40 : memref<120x64xf32, #tpu.memory_space<vmem_shared>>)
      tpu.yield
    }) : () -> ()
    %barrier3A = arith.constant 0 : index
    tpu.barrier barrier_id(%barrier3A)
    %scan3A_17 = arith.constant 0 : i32
    %scan3A_18 = arith.constant 0 : i32
    %scan3A_19 = arith.constant 157 : i32
    %scan3A_20 = arith.addi %scan3A_18, %scan3A_19 : i32
    %scan3A_21 = arith.constant 1 : i32
    scf.for %scan3A_26 = %scan3A_18 to %scan3A_20 step %scan3A_21  : i32 {
      %get3A = arith.index_cast %scan3A_26 : i32 to index
      %get3A_27 = arith.constant 0 : index
      %get3A_28 = tpu.vector_load %arg6[%get3A, %get3A_27] {strides = array<i32>} : memref<157x128xi32, #tpu.memory_space<vmem>>, vector<1x16xi32>,
      %get3A_29 = vector.shape_cast %get3A_28 : vector<1x16xi32> to vector<16xi32>
      %add3A_30 = vector.broadcast %mul3A_0 : i32 to vector<16xi32>
      %add3A_31 = arith.addi %get3A_29, %add3A_30 : vector<16xi32>
      %swap3A = arith.constant 0 : index
      %swap3A_32 = tpu.vector_load %arg8[%swap3A] {strides = array<i32>} : memref<128xi32, #tpu.memory_space<vmem>>, vector<16xi32>,
      %swap3A_33 = vector.shape_cast %swap3A_32 : vector<16xi32> to vector<16xi32>
      %swap3A_34 = vector.shape_cast %add3A_31 : vector<16xi32> to vector<16xi32>
      tpu.vector_store %arg8[%swap3A], %swap3A_34 {strides = array<i32>} : memref<128xi32, #tpu.memory_space<vmem>>, vector<16xi32>,
      %get3A_35 = arith.index_cast %scan3A_26 : i32 to index
      %get3A_36 = arith.constant 0 : index
      %get3A_37 = tpu.vector_load %arg7[%get3A_35, %get3A_36] {strides = array<i32>} : memref<157x128xi32, #tpu.memory_space<vmem>>, vector<1x16xi32>,
      %get3A_38 = vector.shape_cast %get3A_37 : vector<1x16xi32> to vector<16xi32>
      %add3A_39 = vector.broadcast %mul3A_0 : i32 to vector<16xi32>
      %add3A_40 = arith.addi %get3A_38, %add3A_39 : vector<16xi32>
      %swap3A_41 = arith.constant 0 : index
      %swap3A_42 = tpu.vector_load %arg9[%swap3A_41] {strides = array<i32>} : memref<128xi32, #tpu.memory_space<vmem>>, vector<16xi32>,
      %swap3A_43 = vector.shape_cast %swap3A_42 : vector<16xi32> to vector<16xi32>
      %swap3A_44 = vector.shape_cast %add3A_40 : vector<16xi32> to vector<16xi32>
      tpu.vector_store %arg9[%swap3A_41], %swap3A_44 {strides = array<i32>} : memref<128xi32, #tpu.memory_space<vmem>>, vector<16xi32>,
      %get3A_45 = arith.index_cast %scan3A_26 : i32 to index
      %get3A_46 = arith.constant 16 : index
      %get3A_47 = tpu.vector_load %arg6[%get3A_45, %get3A_46] {strides = array<i32>} : memref<157x128xi32, #tpu.memory_space<vmem>>, vector<1x16xi32>,
      %get3A_48 = vector.shape_cast %get3A_47 : vector<1x16xi32> to vector<16xi32>
      %add3A_49 = vector.broadcast %mul3A_0 : i32 to vector<16xi32>
      %add3A_50 = arith.addi %get3A_48, %add3A_49 : vector<16xi32>
      %swap3A_51 = arith.constant 16 : index
      %swap3A_52 = tpu.vector_load %arg8[%swap3A_51] {strides = array<i32>} : memref<128xi32, #tpu.memory_space<vmem>>, vector<16xi32>,
      %swap3A_53 = vector.shape_cast %swap3A_52 : vector<16xi32> to vector<16xi32>
      %swap3A_54 = vector.shape_cast %add3A_50 : vector<16xi32> to vector<16xi32>
      tpu.vector_store %arg8[%swap3A_51], %swap3A_54 {strides = array<i32>} : memref<128xi32, #tpu.memory_space<vmem>>, vector<16xi32>,
      %get3A_55 = arith.index_cast %scan3A_26 : i32 to index
      %get3A_56 = arith.constant 16 : index
      %get3A_57 = tpu.vector_load %arg7[%get3A_55, %get3A_56] {strides = array<i32>} : memref<157x128xi32, #tpu.memory_space<vmem>>, vector<1x16xi32>,
      %get3A_58 = vector.shape_cast %get3A_57 : vector<1x16xi32> to vector<16xi32>
      %add3A_59 = vector.broadcast %mul3A_0 : i32 to vector<16xi32>
      %add3A_60 = arith.addi %get3A_58, %add3A_59 : vector<16xi32>
      %swap3A_61 = arith.constant 16 : index
      %swap3A_62 = tpu.vector_load %arg9[%swap3A_61] {strides = array<i32>} : memref<128xi32, #tpu.memory_space<vmem>>, vector<16xi32>,
      %swap3A_63 = vector.shape_cast %swap3A_62 : vector<16xi32> to vector<16xi32>
      %swap3A_64 = vector.shape_cast %add3A_60 : vector<16xi32> to vector<16xi32>
      tpu.vector_store %arg9[%swap3A_61], %swap3A_64 {strides = array<i32>} : memref<128xi32, #tpu.memory_space<vmem>>, vector<16xi32>,
      %get3A_65 = arith.index_cast %scan3A_26 : i32 to index
      %get3A_66 = arith.constant 32 : index
      %get3A_67 = tpu.vector_load %arg6[%get3A_65, %get3A_66] {strides = array<i32>} : memref<157x128xi32, #tpu.memory_space<vmem>>, vector<1x16xi32>,
      %get3A_68 = vector.shape_cast %get3A_67 : vector<1x16xi32> to vector<16xi32>
      %add3A_69 = vector.broadcast %mul3A_0 : i32 to vector<16xi32>
      %add3A_70 = arith.addi %get3A_68, %add3A_69 : vector<16xi32>
      %swap3A_71 = arith.constant 32 : index
      %swap3A_72 = tpu.vector_load %arg8[%swap3A_71] {strides = array<i32>} : memref<128xi32, #tpu.memory_space<vmem>>, vector<16xi32>,
      %swap3A_73 = vector.shape_cast %swap3A_72 : vector<16xi32> to vector<16xi32>
      %swap3A_74 = vector.shape_cast %add3A_70 : vector<16xi32> to vector<16xi32>
      tpu.vector_store %arg8[%swap3A_71], %swap3A_74 {strides = array<i32>} : memref<128xi32, #tpu.memory_space<vmem>>, vector<16xi32>,
      %get3A_75 = arith.index_cast %scan3A_26 : i32 to index
      %get3A_76 = arith.constant 32 : index
      %get3A_77 = tpu.vector_load %arg7[%get3A_75, %get3A_76] {strides = array<i32>} : memref<157x128xi32, #tpu.memory_space<vmem>>, vector<1x16xi32>,
      %get3A_78 = vector.shape_cast %get3A_77 : vector<1x16xi32> to vector<16xi32>
      %add3A_79 = vector.broadcast %mul3A_0 : i32 to vector<16xi32>
      %add3A_80 = arith.addi %get3A_78, %add3A_79 : vector<16xi32>
      %swap3A_81 = arith.constant 32 : index
      %swap3A_82 = tpu.vector_load %arg9[%swap3A_81] {strides = array<i32>} : memref<128xi32, #tpu.memory_space<vmem>>, vector<16xi32>,
      %swap3A_83 = vector.shape_cast %swap3A_82 : vector<16xi32> to vector<16xi32>
      %swap3A_84 = vector.shape_cast %add3A_80 : vector<16xi32> to vector<16xi32>
      tpu.vector_store %arg9[%swap3A_81], %swap3A_84 {strides = array<i32>} : memref<128xi32, #tpu.memory_space<vmem>>, vector<16xi32>,
      %get3A_85 = arith.index_cast %scan3A_26 : i32 to index
      %get3A_86 = arith.constant 48 : index
      %get3A_87 = tpu.vector_load %arg6[%get3A_85, %get3A_86] {strides = array<i32>} : memref<157x128xi32, #tpu.memory_space<vmem>>, vector<1x16xi32>,
      %get3A_88 = vector.shape_cast %get3A_87 : vector<1x16xi32> to vector<16xi32>
      %add3A_89 = vector.broadcast %mul3A_0 : i32 to vector<16xi32>
      %add3A_90 = arith.addi %get3A_88, %add3A_89 : vector<16xi32>
      %swap3A_91 = arith.constant 48 : index
      %swap3A_92 = tpu.vector_load %arg8[%swap3A_91] {strides = array<i32>} : memref<128xi32, #tpu.memory_space<vmem>>, vector<16xi32>,
      %swap3A_93 = vector.shape_cast %swap3A_92 : vector<16xi32> to vector<16xi32>
      %swap3A_94 = vector.shape_cast %add3A_90 : vector<16xi32> to vector<16xi32>
      tpu.vector_store %arg8[%swap3A_91], %swap3A_94 {strides = array<i32>} : memref<128xi32, #tpu.memory_space<vmem>>, vector<16xi32>,
      %get3A_95 = arith.index_cast %scan3A_26 : i32 to index
      %get3A_96 = arith.constant 48 : index
      %get3A_97 = tpu.vector_load %arg7[%get3A_95, %get3A_96] {strides = array<i32>} : memref<157x128xi32, #tpu.memory_space<vmem>>, vector<1x16xi32>,
      %get3A_98 = vector.shape_cast %get3A_97 : vector<1x16xi32> to vector<16xi32>
      %add3A_99 = vector.broadcast %mul3A_0 : i32 to vector<16xi32>
      %add3A_100 = arith.addi %get3A_98, %add3A_99 : vector<16xi32>
      %swap3A_101 = arith.constant 48 : index
      %swap3A_102 = tpu.vector_load %arg9[%swap3A_101] {strides = array<i32>} : memref<128xi32, #tpu.memory_space<vmem>>, vector<16xi32>,
      %swap3A_103 = vector.shape_cast %swap3A_102 : vector<16xi32> to vector<16xi32>
      %swap3A_104 = vector.shape_cast %add3A_100 : vector<16xi32> to vector<16xi32>
      tpu.vector_store %arg9[%swap3A_101], %swap3A_104 {strides = array<i32>} : memref<128xi32, #tpu.memory_space<vmem>>, vector<16xi32>,
      %get3A_105 = arith.index_cast %scan3A_26 : i32 to index
      %get3A_106 = arith.constant 64 : index
      %get3A_107 = tpu.vector_load %arg6[%get3A_105, %get3A_106] {strides = array<i32>} : memref<157x128xi32, #tpu.memory_space<vmem>>, vector<1x16xi32>,
      %get3A_108 = vector.shape_cast %get3A_107 : vector<1x16xi32> to vector<16xi32>
      %add3A_109 = vector.broadcast %mul3A_0 : i32 to vector<16xi32>
      %add3A_110 = arith.addi %get3A_108, %add3A_109 : vector<16xi32>
      %swap3A_111 = arith.constant 64 : index
      %swap3A_112 = tpu.vector_load %arg8[%swap3A_111] {strides = array<i32>} : memref<128xi32, #tpu.memory_space<vmem>>, vector<16xi32>,
      %swap3A_113 = vector.shape_cast %swap3A_112 : vector<16xi32> to vector<16xi32>
      %swap3A_114 = vector.shape_cast %add3A_110 : vector<16xi32> to vector<16xi32>
      tpu.vector_store %arg8[%swap3A_111], %swap3A_114 {strides = array<i32>} : memref<128xi32, #tpu.memory_space<vmem>>, vector<16xi32>,
      %get3A_115 = arith.index_cast %scan3A_26 : i32 to index
      %get3A_116 = arith.constant 64 : index
      %get3A_117 = tpu.vector_load %arg7[%get3A_115, %get3A_116] {strides = array<i32>} : memref<157x128xi32, #tpu.memory_space<vmem>>, vector<1x16xi32>,
      %get3A_118 = vector.shape_cast %get3A_117 : vector<1x16xi32> to vector<16xi32>
      %add3A_119 = vector.broadcast %mul3A_0 : i32 to vector<16xi32>
      %add3A_120 = arith.addi %get3A_118, %add3A_119 : vector<16xi32>
      %swap3A_121 = arith.constant 64 : index
      %swap3A_122 = tpu.vector_load %arg9[%swap3A_121] {strides = array<i32>} : memref<128xi32, #tpu.memory_space<vmem>>, vector<16xi32>,
      %swap3A_123 = vector.shape_cast %swap3A_122 : vector<16xi32> to vector<16xi32>
      %swap3A_124 = vector.shape_cast %add3A_120 : vector<16xi32> to vector<16xi32>
      tpu.vector_store %arg9[%swap3A_121], %swap3A_124 {strides = array<i32>} : memref<128xi32, #tpu.memory_space<vmem>>, vector<16xi32>,
      %get3A_125 = arith.index_cast %scan3A_26 : i32 to index
      %get3A_126 = arith.constant 80 : index
      %get3A_127 = tpu.vector_load %arg6[%get3A_125, %get3A_126] {strides = array<i32>} : memref<157x128xi32, #tpu.memory_space<vmem>>, vector<1x16xi32>,
      %get3A_128 = vector.shape_cast %get3A_127 : vector<1x16xi32> to vector<16xi32>
      %add3A_129 = vector.broadcast %mul3A_0 : i32 to vector<16xi32>
      %add3A_130 = arith.addi %get3A_128, %add3A_129 : vector<16xi32>
      %swap3A_131 = arith.constant 80 : index
      %swap3A_132 = tpu.vector_load %arg8[%swap3A_131] {strides = array<i32>} : memref<128xi32, #tpu.memory_space<vmem>>, vector<16xi32>,
      %swap3A_133 = vector.shape_cast %swap3A_132 : vector<16xi32> to vector<16xi32>
      %swap3A_134 = vector.shape_cast %add3A_130 : vector<16xi32> to vector<16xi32>
      tpu.vector_store %arg8[%swap3A_131], %swap3A_134 {strides = array<i32>} : memref<128xi32, #tpu.memory_space<vmem>>, vector<16xi32>,
      %get3A_135 = arith.index_cast %scan3A_26 : i32 to index
      %get3A_136 = arith.constant 80 : index
      %get3A_137 = tpu.vector_load %arg7[%get3A_135, %get3A_136] {strides = array<i32>} : memref<157x128xi32, #tpu.memory_space<vmem>>, vector<1x16xi32>,
      %get3A_138 = vector.shape_cast %get3A_137 : vector<1x16xi32> to vector<16xi32>
      %add3A_139 = vector.broadcast %mul3A_0 : i32 to vector<16xi32>
      %add3A_140 = arith.addi %get3A_138, %add3A_139 : vector<16xi32>
      %swap3A_141 = arith.constant 80 : index
      %swap3A_142 = tpu.vector_load %arg9[%swap3A_141] {strides = array<i32>} : memref<128xi32, #tpu.memory_space<vmem>>, vector<16xi32>,
      %swap3A_143 = vector.shape_cast %swap3A_142 : vector<16xi32> to vector<16xi32>
      %swap3A_144 = vector.shape_cast %add3A_140 : vector<16xi32> to vector<16xi32>
      tpu.vector_store %arg9[%swap3A_141], %swap3A_144 {strides = array<i32>} : memref<128xi32, #tpu.memory_space<vmem>>, vector<16xi32>,
      %get3A_145 = arith.index_cast %scan3A_26 : i32 to index
      %get3A_146 = arith.constant 96 : index
      %get3A_147 = tpu.vector_load %arg6[%get3A_145, %get3A_146] {strides = array<i32>} : memref<157x128xi32, #tpu.memory_space<vmem>>, vector<1x16xi32>,
      %get3A_148 = vector.shape_cast %get3A_147 : vector<1x16xi32> to vector<16xi32>
      %add3A_149 = vector.broadcast %mul3A_0 : i32 to vector<16xi32>
      %add3A_150 = arith.addi %get3A_148, %add3A_149 : vector<16xi32>
      %swap3A_151 = arith.constant 96 : index
      %swap3A_152 = tpu.vector_load %arg8[%swap3A_151] {strides = array<i32>} : memref<128xi32, #tpu.memory_space<vmem>>, vector<16xi32>,
      %swap3A_153 = vector.shape_cast %swap3A_152 : vector<16xi32> to vector<16xi32>
      %swap3A_154 = vector.shape_cast %add3A_150 : vector<16xi32> to vector<16xi32>
      tpu.vector_store %arg8[%swap3A_151], %swap3A_154 {strides = array<i32>} : memref<128xi32, #tpu.memory_space<vmem>>, vector<16xi32>,
      %get3A_155 = arith.index_cast %scan3A_26 : i32 to index
      %get3A_156 = arith.constant 96 : index
      %get3A_157 = tpu.vector_load %arg7[%get3A_155, %get3A_156] {strides = array<i32>} : memref<157x128xi32, #tpu.memory_space<vmem>>, vector<1x16xi32>,
      %get3A_158 = vector.shape_cast %get3A_157 : vector<1x16xi32> to vector<16xi32>
      %add3A_159 = vector.broadcast %mul3A_0 : i32 to vector<16xi32>
      %add3A_160 = arith.addi %get3A_158, %add3A_159 : vector<16xi32>
      %swap3A_161 = arith.constant 96 : index
      %swap3A_162 = tpu.vector_load %arg9[%swap3A_161] {strides = array<i32>} : memref<128xi32, #tpu.memory_space<vmem>>, vector<16xi32>,
      %swap3A_163 = vector.shape_cast %swap3A_162 : vector<16xi32> to vector<16xi32>
      %swap3A_164 = vector.shape_cast %add3A_160 : vector<16xi32> to vector<16xi32>
      tpu.vector_store %arg9[%swap3A_161], %swap3A_164 {strides = array<i32>} : memref<128xi32, #tpu.memory_space<vmem>>, vector<16xi32>,
      %get3A_165 = arith.index_cast %scan3A_26 : i32 to index
      %get3A_166 = arith.constant 112 : index
      %get3A_167 = tpu.vector_load %arg6[%get3A_165, %get3A_166] {strides = array<i32>} : memref<157x128xi32, #tpu.memory_space<vmem>>, vector<1x16xi32>,
      %get3A_168 = vector.shape_cast %get3A_167 : vector<1x16xi32> to vector<16xi32>
      %add3A_169 = vector.broadcast %mul3A_0 : i32 to vector<16xi32>
      %add3A_170 = arith.addi %get3A_168, %add3A_169 : vector<16xi32>
      %swap3A_171 = arith.constant 112 : index
      %swap3A_172 = tpu.vector_load %arg8[%swap3A_171] {strides = array<i32>} : memref<128xi32, #tpu.memory_space<vmem>>, vector<16xi32>,
      %swap3A_173 = vector.shape_cast %swap3A_172 : vector<16xi32> to vector<16xi32>
      %swap3A_174 = vector.shape_cast %add3A_170 : vector<16xi32> to vector<16xi32>
      tpu.vector_store %arg8[%swap3A_171], %swap3A_174 {strides = array<i32>} : memref<128xi32, #tpu.memory_space<vmem>>, vector<16xi32>,
      %get3A_175 = arith.index_cast %scan3A_26 : i32 to index
      %get3A_176 = arith.constant 112 : index
      %get3A_177 = tpu.vector_load %arg7[%get3A_175, %get3A_176] {strides = array<i32>} : memref<157x128xi32, #tpu.memory_space<vmem>>, vector<1x16xi32>,
      %get3A_178 = vector.shape_cast %get3A_177 : vector<1x16xi32> to vector<16xi32>
      %add3A_179 = vector.broadcast %mul3A_0 : i32 to vector<16xi32>
      %add3A_180 = arith.addi %get3A_178, %add3A_179 : vector<16xi32>
      %swap3A_181 = arith.constant 112 : index
      %swap3A_182 = tpu.vector_load %arg9[%swap3A_181] {strides = array<i32>} : memref<128xi32, #tpu.memory_space<vmem>>, vector<16xi32>,
      %swap3A_183 = vector.shape_cast %swap3A_182 : vector<16xi32> to vector<16xi32>
      %swap3A_184 = vector.shape_cast %add3A_180 : vector<16xi32> to vector<16xi32>
      tpu.vector_store %arg9[%swap3A_181], %swap3A_184 {strides = array<i32>} : memref<128xi32, #tpu.memory_space<vmem>>, vector<16xi32>,
      %dma_start3A = arith.constant 0 : i32
      %dma_start3A_185 = arith.constant 0 : i32
      %dma_start3A_186 = tpu.memref_slice %arg2[%dma_start3A, %dma_start3A_185] : memref<20000x64xf32, #tpu.memory_space<hbm>> -> memref<20000x64xf32, #tpu.memory_space<hbm>>
      tpu.enqueue_indirect_dma source(%dma_start3A_186 : memref<20000x64xf32, #tpu.memory_space<hbm>>) target(%arg10 : memref<128x64xf32, #tpu.memory_space<vmem>>) offsets(%arg8 : memref<128xi32, #tpu.memory_space<vmem>>) semaphore(%arg13 : memref<!tpu.dma_semaphore, #tpu.memory_space<semaphore_mem>>)
      %dma_start3A_187 = arith.constant 0 : i32
      %dma_start3A_188 = arith.constant 0 : i32
      %dma_start3A_189 = tpu.memref_slice %arg2[%dma_start3A_187, %dma_start3A_188] : memref<20000x64xf32, #tpu.memory_space<hbm>> -> memref<20000x64xf32, #tpu.memory_space<hbm>>
      tpu.enqueue_indirect_dma source(%dma_start3A_189 : memref<20000x64xf32, #tpu.memory_space<hbm>>) target(%arg11 : memref<128x64xf32, #tpu.memory_space<vmem>>) offsets(%arg9 : memref<128xi32, #tpu.memory_space<vmem>>) semaphore(%arg14 : memref<!tpu.dma_semaphore, #tpu.memory_space<semaphore_mem>>)
      %dma_wait3A = arith.constant 0 : i32
      %dma_wait3A_190 = arith.constant 0 : i32
      %dma_wait3A_191 = tpu.memref_slice %arg2[%dma_wait3A, %dma_wait3A_190] : memref<20000x64xf32, #tpu.memory_space<hbm>> -> memref<20000x64xf32, #tpu.memory_space<hbm>>
      tpu.wait_indirect_dma semaphore(%arg13 : memref<!tpu.dma_semaphore, #tpu.memory_space<semaphore_mem>>) src(%dma_wait3A_191 : memref<20000x64xf32, #tpu.memory_space<hbm>>) dst(%arg10 : memref<128x64xf32, #tpu.memory_space<vmem>>)
      %dma_wait3A_192 = arith.constant 0 : i32
      %dma_wait3A_193 = arith.constant 0 : i32
      %dma_wait3A_194 = tpu.memref_slice %arg2[%dma_wait3A_192, %dma_wait3A_193] : memref<20000x64xf32, #tpu.memory_space<hbm>> -> memref<20000x64xf32, #tpu.memory_space<hbm>>
      tpu.wait_indirect_dma semaphore(%arg14 : memref<!tpu.dma_semaphore, #tpu.memory_space<semaphore_mem>>) src(%dma_wait3A_194 : memref<20000x64xf32, #tpu.memory_space<hbm>>) dst(%arg11 : memref<128x64xf32, #tpu.memory_space<vmem>>)
      %scan3A_195 = arith.constant 0 : i32
      %scan3A_196 = arith.constant 0 : i32
      %scan3A_197 = arith.constant 128 : i32
      %scan3A_198 = arith.addi %scan3A_196, %scan3A_197 : i32
      %scan3A_199 = arith.constant 1 : i32
      scf.for %scan3A_201 = %scan3A_196 to %scan3A_198 step %scan3A_199  : i32 {
        %get3A_202 = arith.index_cast %scan3A_201 : i32 to index
        %get3A_203 = arith.constant 0 : index
        %get3A_204 = tpu.vector_load %arg10[%get3A_202, %get3A_203] {strides = array<i32>} : memref<128x64xf32, #tpu.memory_space<vmem>>, vector<1x16xf32>,
        %get3A_205 = vector.shape_cast %get3A_204 : vector<1x16xf32> to vector<16xf32>
        %get3A_206 = arith.index_cast %scan3A_201 : i32 to index
        %get3A_207 = arith.constant 0 : index
        %get3A_208 = tpu.vector_load %arg11[%get3A_206, %get3A_207] {strides = array<i32>} : memref<128x64xf32, #tpu.memory_space<vmem>>, vector<1x16xf32>,
        %get3A_209 = vector.shape_cast %get3A_208 : vector<1x16xf32> to vector<16xf32>
        %sub3A = arith.subf %get3A_205, %get3A_209 : vector<16xf32>
        %max3A = arith.constant 0.000000e+00 : f32
        %max3A_210 = vector.broadcast %max3A : f32 to vector<16xf32>
        %max3A_211 = arith.maximumf %sub3A, %max3A_210 : vector<16xf32>
        %swap3A_212 = arith.index_cast %scan3A_201 : i32 to index
        %swap3A_213 = arith.constant 0 : index
        %swap3A_214 = tpu.vector_load %arg10[%swap3A_212, %swap3A_213] {strides = array<i32>} : memref<128x64xf32, #tpu.memory_space<vmem>>, vector<1x16xf32>,
        %swap3A_215 = vector.shape_cast %swap3A_214 : vector<1x16xf32> to vector<16xf32>
        %swap3A_216 = vector.shape_cast %max3A_211 : vector<16xf32> to vector<1x16xf32>
        tpu.vector_store %arg10[%swap3A_212, %swap3A_213], %swap3A_216 {strides = array<i32>} : memref<128x64xf32, #tpu.memory_space<vmem>>, vector<1x16xf32>,
        %neg3A = arith.constant 0.000000e+00 : f32
        %neg3A_217 = vector.broadcast %neg3A : f32 to vector<16xf32>
        %neg3A_218 = arith.subf %neg3A_217, %max3A_211 : vector<16xf32>
        %swap3A_219 = arith.index_cast %scan3A_201 : i32 to index
        %swap3A_220 = arith.constant 0 : index
        %swap3A_221 = tpu.vector_load %arg11[%swap3A_219, %swap3A_220] {strides = array<i32>} : memref<128x64xf32, #tpu.memory_space<vmem>>, vector<1x16xf32>,
        %swap3A_222 = vector.shape_cast %swap3A_221 : vector<1x16xf32> to vector<16xf32>
        %swap3A_223 = vector.shape_cast %neg3A_218 : vector<16xf32> to vector<1x16xf32>
        tpu.vector_store %arg11[%swap3A_219, %swap3A_220], %swap3A_223 {strides = array<i32>} : memref<128x64xf32, #tpu.memory_space<vmem>>, vector<1x16xf32>,
        %get3A_224 = arith.index_cast %scan3A_201 : i32 to index
        %get3A_225 = arith.constant 16 : index
        %get3A_226 = tpu.vector_load %arg10[%get3A_224, %get3A_225] {strides = array<i32>} : memref<128x64xf32, #tpu.memory_space<vmem>>, vector<1x16xf32>,
        %get3A_227 = vector.shape_cast %get3A_226 : vector<1x16xf32> to vector<16xf32>
        %get3A_228 = arith.index_cast %scan3A_201 : i32 to index
        %get3A_229 = arith.constant 16 : index
        %get3A_230 = tpu.vector_load %arg11[%get3A_228, %get3A_229] {strides = array<i32>} : memref<128x64xf32, #tpu.memory_space<vmem>>, vector<1x16xf32>,
        %get3A_231 = vector.shape_cast %get3A_230 : vector<1x16xf32> to vector<16xf32>
        %sub3A_232 = arith.subf %get3A_227, %get3A_231 : vector<16xf32>
        %max3A_233 = arith.constant 0.000000e+00 : f32
        %max3A_234 = vector.broadcast %max3A_233 : f32 to vector<16xf32>
        %max3A_235 = arith.maximumf %sub3A_232, %max3A_234 : vector<16xf32>
        %swap3A_236 = arith.index_cast %scan3A_201 : i32 to index
        %swap3A_237 = arith.constant 16 : index
        %swap3A_238 = tpu.vector_load %arg10[%swap3A_236, %swap3A_237] {strides = array<i32>} : memref<128x64xf32, #tpu.memory_space<vmem>>, vector<1x16xf32>,
        %swap3A_239 = vector.shape_cast %swap3A_238 : vector<1x16xf32> to vector<16xf32>
        %swap3A_240 = vector.shape_cast %max3A_235 : vector<16xf32> to vector<1x16xf32>
        tpu.vector_store %arg10[%swap3A_236, %swap3A_237], %swap3A_240 {strides = array<i32>} : memref<128x64xf32, #tpu.memory_space<vmem>>, vector<1x16xf32>,
        %neg3A_241 = arith.constant 0.000000e+00 : f32
        %neg3A_242 = vector.broadcast %neg3A_241 : f32 to vector<16xf32>
        %neg3A_243 = arith.subf %neg3A_242, %max3A_235 : vector<16xf32>
        %swap3A_244 = arith.index_cast %scan3A_201 : i32 to index
        %swap3A_245 = arith.constant 16 : index
        %swap3A_246 = tpu.vector_load %arg11[%swap3A_244, %swap3A_245] {strides = array<i32>} : memref<128x64xf32, #tpu.memory_space<vmem>>, vector<1x16xf32>,
        %swap3A_247 = vector.shape_cast %swap3A_246 : vector<1x16xf32> to vector<16xf32>
        %swap3A_248 = vector.shape_cast %neg3A_243 : vector<16xf32> to vector<1x16xf32>
        tpu.vector_store %arg11[%swap3A_244, %swap3A_245], %swap3A_248 {strides = array<i32>} : memref<128x64xf32, #tpu.memory_space<vmem>>, vector<1x16xf32>,
        %get3A_249 = arith.index_cast %scan3A_201 : i32 to index
        %get3A_250 = arith.constant 32 : index
        %get3A_251 = tpu.vector_load %arg10[%get3A_249, %get3A_250] {strides = array<i32>} : memref<128x64xf32, #tpu.memory_space<vmem>>, vector<1x16xf32>,
        %get3A_252 = vector.shape_cast %get3A_251 : vector<1x16xf32> to vector<16xf32>
        %get3A_253 = arith.index_cast %scan3A_201 : i32 to index
        %get3A_254 = arith.constant 32 : index
        %get3A_255 = tpu.vector_load %arg11[%get3A_253, %get3A_254] {strides = array<i32>} : memref<128x64xf32, #tpu.memory_space<vmem>>, vector<1x16xf32>,
        %get3A_256 = vector.shape_cast %get3A_255 : vector<1x16xf32> to vector<16xf32>
        %sub3A_257 = arith.subf %get3A_252, %get3A_256 : vector<16xf32>
        %max3A_258 = arith.constant 0.000000e+00 : f32
        %max3A_259 = vector.broadcast %max3A_258 : f32 to vector<16xf32>
        %max3A_260 = arith.maximumf %sub3A_257, %max3A_259 : vector<16xf32>
        %swap3A_261 = arith.index_cast %scan3A_201 : i32 to index
        %swap3A_262 = arith.constant 32 : index
        %swap3A_263 = tpu.vector_load %arg10[%swap3A_261, %swap3A_262] {strides = array<i32>} : memref<128x64xf32, #tpu.memory_space<vmem>>, vector<1x16xf32>,
        %swap3A_264 = vector.shape_cast %swap3A_263 : vector<1x16xf32> to vector<16xf32>
        %swap3A_265 = vector.shape_cast %max3A_260 : vector<16xf32> to vector<1x16xf32>
        tpu.vector_store %arg10[%swap3A_261, %swap3A_262], %swap3A_265 {strides = array<i32>} : memref<128x64xf32, #tpu.memory_space<vmem>>, vector<1x16xf32>,
        %neg3A_266 = arith.constant 0.000000e+00 : f32
        %neg3A_267 = vector.broadcast %neg3A_266 : f32 to vector<16xf32>
        %neg3A_268 = arith.subf %neg3A_267, %max3A_260 : vector<16xf32>
        %swap3A_269 = arith.index_cast %scan3A_201 : i32 to index
        %swap3A_270 = arith.constant 32 : index
        %swap3A_271 = tpu.vector_load %arg11[%swap3A_269, %swap3A_270] {strides = array<i32>} : memref<128x64xf32, #tpu.memory_space<vmem>>, vector<1x16xf32>,
        %swap3A_272 = vector.shape_cast %swap3A_271 : vector<1x16xf32> to vector<16xf32>
        %swap3A_273 = vector.shape_cast %neg3A_268 : vector<16xf32> to vector<1x16xf32>
        tpu.vector_store %arg11[%swap3A_269, %swap3A_270], %swap3A_273 {strides = array<i32>} : memref<128x64xf32, #tpu.memory_space<vmem>>, vector<1x16xf32>,
        %get3A_274 = arith.index_cast %scan3A_201 : i32 to index
        %get3A_275 = arith.constant 48 : index
        %get3A_276 = tpu.vector_load %arg10[%get3A_274, %get3A_275] {strides = array<i32>} : memref<128x64xf32, #tpu.memory_space<vmem>>, vector<1x16xf32>,
        %get3A_277 = vector.shape_cast %get3A_276 : vector<1x16xf32> to vector<16xf32>
        %get3A_278 = arith.index_cast %scan3A_201 : i32 to index
        %get3A_279 = arith.constant 48 : index
        %get3A_280 = tpu.vector_load %arg11[%get3A_278, %get3A_279] {strides = array<i32>} : memref<128x64xf32, #tpu.memory_space<vmem>>, vector<1x16xf32>,
        %get3A_281 = vector.shape_cast %get3A_280 : vector<1x16xf32> to vector<16xf32>
        %sub3A_282 = arith.subf %get3A_277, %get3A_281 : vector<16xf32>
        %max3A_283 = arith.constant 0.000000e+00 : f32
        %max3A_284 = vector.broadcast %max3A_283 : f32 to vector<16xf32>
        %max3A_285 = arith.maximumf %sub3A_282, %max3A_284 : vector<16xf32>
        %swap3A_286 = arith.index_cast %scan3A_201 : i32 to index
        %swap3A_287 = arith.constant 48 : index
        %swap3A_288 = tpu.vector_load %arg10[%swap3A_286, %swap3A_287] {strides = array<i32>} : memref<128x64xf32, #tpu.memory_space<vmem>>, vector<1x16xf32>,
        %swap3A_289 = vector.shape_cast %swap3A_288 : vector<1x16xf32> to vector<16xf32>
        %swap3A_290 = vector.shape_cast %max3A_285 : vector<16xf32> to vector<1x16xf32>
        tpu.vector_store %arg10[%swap3A_286, %swap3A_287], %swap3A_290 {strides = array<i32>} : memref<128x64xf32, #tpu.memory_space<vmem>>, vector<1x16xf32>,
        %neg3A_291 = arith.constant 0.000000e+00 : f32
        %neg3A_292 = vector.broadcast %neg3A_291 : f32 to vector<16xf32>
        %neg3A_293 = arith.subf %neg3A_292, %max3A_285 : vector<16xf32>
        %swap3A_294 = arith.index_cast %scan3A_201 : i32 to index
        %swap3A_295 = arith.constant 48 : index
        %swap3A_296 = tpu.vector_load %arg11[%swap3A_294, %swap3A_295] {strides = array<i32>} : memref<128x64xf32, #tpu.memory_space<vmem>>, vector<1x16xf32>,
        %swap3A_297 = vector.shape_cast %swap3A_296 : vector<1x16xf32> to vector<16xf32>
        %swap3A_298 = vector.shape_cast %neg3A_293 : vector<16xf32> to vector<1x16xf32>
        tpu.vector_store %arg11[%swap3A_294, %swap3A_295], %swap3A_298 {strides = array<i32>} : memref<128x64xf32, #tpu.memory_space<vmem>>, vector<1x16xf32>,
      }
      %scan3A_200 = arith.constant 128 : i32
      "tpu.region"() ({
        %run_scoped3A = tpu.sem_alloc : memref<!tpu.dma_semaphore, #tpu.memory_space<semaphore_mem>>
        %dma_start3A_201 = arith.constant 0 : i32
        %dma_start3A_202 = tpu.memref_slice %arg6[%scan3A_26, %dma_start3A_201] : memref<157x128xi32, #tpu.memory_space<vmem>> -> memref<1x128xi32, #tpu.memory_space<vmem>>
        %dma_start3A_203 = tpu.memref_squeeze %dma_start3A_202 : memref<1x128xi32, #tpu.memory_space<vmem>> -> memref<128xi32, #tpu.memory_space<vmem>>
        %dma_start3A_204 = arith.constant 0 : i32
        %dma_start3A_205 = arith.constant 0 : i32
        %dma_start3A_206 = tpu.memref_slice %arg12[%dma_start3A_204, %dma_start3A_205] : memref<10112x64xf32, #tpu.memory_space<vmem_shared>> -> memref<10112x64xf32, #tpu.memory_space<vmem_shared>>
        tpu.enqueue_indirect_dma source(%arg10 : memref<128x64xf32, #tpu.memory_space<vmem>>) target(%dma_start3A_206 : memref<10112x64xf32, #tpu.memory_space<vmem_shared>>) offsets(%dma_start3A_203 : memref<128xi32, #tpu.memory_space<vmem>>) semaphore(%run_scoped3A : memref<!tpu.dma_semaphore, #tpu.memory_space<semaphore_mem>>) {add = true}
        %dma_wait3A_207 = arith.constant 0 : i32
        %dma_wait3A_208 = tpu.memref_slice %arg6[%scan3A_26, %dma_wait3A_207] : memref<157x128xi32, #tpu.memory_space<vmem>> -> memref<1x128xi32, #tpu.memory_space<vmem>>
        %dma_wait3A_209 = tpu.memref_squeeze %dma_wait3A_208 : memref<1x128xi32, #tpu.memory_space<vmem>> -> memref<128xi32, #tpu.memory_space<vmem>>
        %dma_wait3A_210 = arith.constant 0 : i32
        %dma_wait3A_211 = arith.constant 0 : i32
        %dma_wait3A_212 = tpu.memref_slice %arg12[%dma_wait3A_210, %dma_wait3A_211] : memref<10112x64xf32, #tpu.memory_space<vmem_shared>> -> memref<10112x64xf32, #tpu.memory_space<vmem_shared>>
        tpu.wait_indirect_dma semaphore(%run_scoped3A : memref<!tpu.dma_semaphore, #tpu.memory_space<semaphore_mem>>) src(%arg10 : memref<128x64xf32, #tpu.memory_space<vmem>>) dst(%dma_wait3A_212 : memref<10112x64xf32, #tpu.memory_space<vmem_shared>>)
        tpu.yield
      }) : () -> ()
      "tpu.region"() ({
        %run_scoped3A = tpu.sem_alloc : memref<!tpu.dma_semaphore, #tpu.memory_space<semaphore_mem>>
        %dma_start3A_201 = arith.constant 0 : i32
        %dma_start3A_202 = tpu.memref_slice %arg7[%scan3A_26, %dma_start3A_201] : memref<157x128xi32, #tpu.memory_space<vmem>> -> memref<1x128xi32, #tpu.memory_space<vmem>>
        %dma_start3A_203 = tpu.memref_squeeze %dma_start3A_202 : memref<1x128xi32, #tpu.memory_space<vmem>> -> memref<128xi32, #tpu.memory_space<vmem>>
        %dma_start3A_204 = arith.constant 0 : i32
        %dma_start3A_205 = arith.constant 0 : i32
        %dma_start3A_206 = tpu.memref_slice %arg12[%dma_start3A_204, %dma_start3A_205] : memref<10112x64xf32, #tpu.memory_space<vmem_shared>> -> memref<10112x64xf32, #tpu.memory_space<vmem_shared>>
        tpu.enqueue_indirect_dma source(%arg11 : memref<128x64xf32, #tpu.memory_space<vmem>>) target(%dma_start3A_206 : memref<10112x64xf32, #tpu.memory_space<vmem_shared>>) offsets(%dma_start3A_203 : memref<128xi32, #tpu.memory_space<vmem>>) semaphore(%run_scoped3A : memref<!tpu.dma_semaphore, #tpu.memory_space<semaphore_mem>>) {add = true}
        %dma_wait3A_207 = arith.constant 0 : i32
        %dma_wait3A_208 = tpu.memref_slice %arg7[%scan3A_26, %dma_wait3A_207] : memref<157x128xi32, #tpu.memory_space<vmem>> -> memref<1x128xi32, #tpu.memory_space<vmem>>
        %dma_wait3A_209 = tpu.memref_squeeze %dma_wait3A_208 : memref<1x128xi32, #tpu.memory_space<vmem>> -> memref<128xi32, #tpu.memory_space<vmem>>
        %dma_wait3A_210 = arith.constant 0 : i32
        %dma_wait3A_211 = arith.constant 0 : i32
        %dma_wait3A_212 = tpu.memref_slice %arg12[%dma_wait3A_210, %dma_wait3A_211] : memref<10112x64xf32, #tpu.memory_space<vmem_shared>> -> memref<10112x64xf32, #tpu.memory_space<vmem_shared>>
        tpu.wait_indirect_dma semaphore(%run_scoped3A : memref<!tpu.dma_semaphore, #tpu.memory_space<semaphore_mem>>) src(%arg11 : memref<128x64xf32, #tpu.memory_space<vmem>>) dst(%dma_wait3A_212 : memref<10112x64xf32, #tpu.memory_space<vmem_shared>>)
        tpu.yield
      }) : () -> ()
    }
    %scan3A_22 = arith.constant 157 : i32
    %barrier3A_23 = arith.constant 0 : index
    tpu.barrier barrier_id(%barrier3A_23)
    %mul3A_24 = arith.constant 632 : i32
    %mul3A_25 = arith.muli %arg1, %mul3A_24 : i32
    "tpu.region"() ({
      %run_scoped3A = tpu.sem_alloc : memref<!tpu.dma_semaphore, #tpu.memory_space<semaphore_mem>>
      %dma_start3A = arith.constant 0 : i32
      %dma_start3A_26 = tpu.memref_slice %arg5[%arg0, %mul3A_25, %dma_start3A] : memref<2x10112x64xf32, #tpu.memory_space<hbm>> -> memref<1x632x64xf32, #tpu.memory_space<hbm>>
      %dma_start3A_27 = tpu.memref_squeeze %dma_start3A_26 : memref<1x632x64xf32, #tpu.memory_space<hbm>> -> memref<632x64xf32, #tpu.memory_space<hbm>>
      %dma_start3A_28 = arith.constant 0 : i32
      %dma_start3A_29 = tpu.memref_slice %arg12[%mul3A_25, %dma_start3A_28] : memref<10112x64xf32, #tpu.memory_space<vmem_shared>> -> memref<632x64xf32, #tpu.memory_space<vmem_shared>>
      tpu.enqueue_dma source(%dma_start3A_29 : memref<632x64xf32, #tpu.memory_space<vmem_shared>>) target(%dma_start3A_27 : memref<632x64xf32, #tpu.memory_space<hbm>>) target_semaphore(%run_scoped3A : memref<!tpu.dma_semaphore, #tpu.memory_space<semaphore_mem>>)
      %dma_wait3A = arith.constant 0 : i32
      %dma_wait3A_30 = tpu.memref_slice %arg5[%arg0, %mul3A_25, %dma_wait3A] : memref<2x10112x64xf32, #tpu.memory_space<hbm>> -> memref<1x632x64xf32, #tpu.memory_space<hbm>>
      %dma_wait3A_31 = tpu.memref_squeeze %dma_wait3A_30 : memref<1x632x64xf32, #tpu.memory_space<hbm>> -> memref<632x64xf32, #tpu.memory_space<hbm>>
      %dma_wait3A_32 = arith.constant 0 : i32
      %dma_wait3A_33 = tpu.memref_slice %arg12[%mul3A_25, %dma_wait3A_32] : memref<10112x64xf32, #tpu.memory_space<vmem_shared>> -> memref<632x64xf32, #tpu.memory_space<vmem_shared>>
      tpu.wait_dma2 semaphore(%run_scoped3A : memref<!tpu.dma_semaphore, #tpu.memory_space<semaphore_mem>>) src(%dma_wait3A_33 : memref<632x64xf32, #tpu.memory_space<vmem_shared>>) dst(%dma_wait3A_31 : memref<632x64xf32, #tpu.memory_space<hbm>>)
      tpu.yield
    }) : () -> ()
    return
  }
}

module attributes {stable_mosaic.version = 14 : i64} {
  func.func @_mm1_body(%arg0: i32, %arg1: memref<1000x128xf32, #tpu.memory_space<vmem>>, %arg2: memref<1000x128xf32, #tpu.memory_space<vmem>>, %arg3: memref<1000x1xf32, #tpu.memory_space<vmem>>, %arg4: memref<128x128xf32, #tpu.memory_space<vmem>>, %arg5: memref<2x1000x64xf32, #tpu.memory_space<vmem>>) attributes {dimension_semantics = [#tpu.dimension_semantics<arbitrary>], iteration_bounds = array<i64: 10>, scalar_prefetch = 0 : i64, scratch_operands = 0 : i64, tpu.core_type = #tpu.core_type<tc>, window_params = [{transform_indices = @transform_0, window_bounds = array<i64: 1000, 128>}, {transform_indices = @transform_1, window_bounds = array<i64: 1000, 128>}, {transform_indices = @transform_2, window_bounds = array<i64: 1000, 1>}, {pipeline_mode = #tpu.pipeline_mode<synchronous>, transform_indices = @transform_3, window_bounds = array<i64: 128, 128>}, {transform_indices = @transform_4, window_bounds = array<i64: 2, 1000, 64>}]} {
    %get3A = arith.constant 0 : index
    %get3A_0 = arith.constant 0 : index
    %get3A_1 = vector.load %arg1[%get3A, %get3A_0] : memref<1000x128xf32, #tpu.memory_space<vmem>>, vector<1000x128xf32>
    %get3A_2 = arith.constant 0 : index
    %get3A_3 = arith.constant 0 : index
    %get3A_4 = vector.load %arg2[%get3A_2, %get3A_3] : memref<1000x128xf32, #tpu.memory_space<vmem>>, vector<1000x128xf32>
    %add3A = arith.addf %get3A_1, %get3A_4 : vector<1000x128xf32>
    %get3A_5 = arith.constant 0 : index
    %get3A_6 = arith.constant 0 : index
    %get3A_7 = vector.load %arg4[%get3A_5, %get3A_6] : memref<128x128xf32, #tpu.memory_space<vmem>>, vector<128x128xf32>
    %dot_general3A = arith.constant dense<0.000000e+00> : vector<1000x128xf32>
    %dot_general3A_8 = tpu.matmul %add3A, %get3A_7, %dot_general3A {dimension_numbers = #tpu.dot_dimension_numbers<[1], [1], [0], [0], [0, 0, 1, 0], [], []>, transpose_lhs_hint = false} : vector<1000x128xf32>, vector<128x128xf32>, vector<1000x128xf32> -> vector<1000x128xf32>
    %get3A_9 = arith.constant 0 : index
    %get3A_10 = arith.constant 0 : index
    %get3A_11 = vector.load %arg3[%get3A_9, %get3A_10] : memref<1000x1xf32, #tpu.memory_space<vmem>>, vector<1000x1xf32>
    %mul3A = vector.broadcast %get3A_11 : vector<1000x1xf32> to vector<1000x128xf32>
    %mul3A_12 = arith.mulf %dot_general3A_8, %mul3A : vector<1000x128xf32>
    %slice3A = vector.extract_strided_slice %mul3A_12 {offsets = [0, 0], sizes = [1000, 64], strides = [1, 1]} : vector<1000x128xf32> to vector<1000x64xf32>
    %swap3A = arith.constant 0 : index
    %swap3A_13 = arith.constant 0 : index
    %swap3A_14 = arith.constant 0 : index
    %swap3A_15 = vector.load %arg5[%swap3A, %swap3A_13, %swap3A_14] : memref<2x1000x64xf32, #tpu.memory_space<vmem>>, vector<1x1000x64xf32>
    %swap3A_16 = vector.shape_cast %swap3A_15 : vector<1x1000x64xf32> to vector<1000x64xf32>
    %swap3A_17 = vector.shape_cast %slice3A : vector<1000x64xf32> to vector<1x1000x64xf32>
    tpu.vector_store %arg5[%swap3A, %swap3A_13, %swap3A_14], %swap3A_17 {strides = array<i32>} : memref<2x1000x64xf32, #tpu.memory_space<vmem>>, vector<1x1000x64xf32>,
    %slice3A_18 = vector.extract_strided_slice %mul3A_12 {offsets = [0, 64], sizes = [1000, 64], strides = [1, 1]} : vector<1000x128xf32> to vector<1000x64xf32>
    %swap3A_19 = arith.constant 1 : index
    %swap3A_20 = arith.constant 0 : index
    %swap3A_21 = arith.constant 0 : index
    %swap3A_22 = vector.load %arg5[%swap3A_19, %swap3A_20, %swap3A_21] : memref<2x1000x64xf32, #tpu.memory_space<vmem>>, vector<1x1000x64xf32>
    %swap3A_23 = vector.shape_cast %swap3A_22 : vector<1x1000x64xf32> to vector<1000x64xf32>
    %swap3A_24 = vector.shape_cast %slice3A_18 : vector<1000x64xf32> to vector<1x1000x64xf32>
    tpu.vector_store %arg5[%swap3A_19, %swap3A_20, %swap3A_21], %swap3A_24 {strides = array<i32>} : memref<2x1000x64xf32, #tpu.memory_space<vmem>>, vector<1x1000x64xf32>,
    return
  }
  func.func @transform_0(%arg0: i32) -> (i32, i32) {
    %c0_i32 = arith.constant 0 : i32
    %c0_i32_0 = arith.constant 0 : i32
    return %arg0, %c0_i32 : i32, i32
  }
  func.func @transform_1(%arg0: i32) -> (i32, i32) {
    %c0_i32 = arith.constant 0 : i32
    %c0_i32_0 = arith.constant 0 : i32
    return %arg0, %c0_i32 : i32, i32
  }
  func.func @transform_2(%arg0: i32) -> (i32, i32) {
    %c0_i32 = arith.constant 0 : i32
    %c0_i32_0 = arith.constant 0 : i32
    return %arg0, %c0_i32 : i32, i32
  }
  func.func @transform_3(%arg0: i32) -> (i32, i32) {
    %c0_i32 = arith.constant 0 : i32
    %c0_i32_0 = arith.constant 0 : i32
    %c0_i32_1 = arith.constant 0 : i32
    return %c0_i32, %c0_i32_0 : i32, i32
  }
  func.func @transform_4(%arg0: i32) -> (i32, i32, i32) {
    %c0_i32 = arith.constant 0 : i32
    %c0_i32_0 = arith.constant 0 : i32
    %c0_i32_1 = arith.constant 0 : i32
    return %c0_i32, %arg0, %c0_i32_0 : i32, i32, i32
  }
}

module attributes {stable_mosaic.version = 14 : i64} {
  func.func @_mm2_body(%arg0: i32, %arg1: memref<2x1000x64xf32, #tpu.memory_space<vmem>>, %arg2: memref<1000x128xf32, #tpu.memory_space<vmem>>, %arg3: memref<1000x1xf32, #tpu.memory_space<vmem>>, %arg4: memref<128x128xf32, #tpu.memory_space<vmem>>, %arg5: memref<1000x128xf32, #tpu.memory_space<vmem>>) attributes {dimension_semantics = [#tpu.dimension_semantics<arbitrary>], iteration_bounds = array<i64: 10>, scalar_prefetch = 0 : i64, scratch_operands = 0 : i64, tpu.core_type = #tpu.core_type<tc>, window_params = [{transform_indices = @transform_0, window_bounds = array<i64: 2, 1000, 64>}, {transform_indices = @transform_1, window_bounds = array<i64: 1000, 128>}, {transform_indices = @transform_2, window_bounds = array<i64: 1000, 1>}, {pipeline_mode = #tpu.pipeline_mode<synchronous>, transform_indices = @transform_3, window_bounds = array<i64: 128, 128>}, {transform_indices = @transform_4, window_bounds = array<i64: 1000, 128>}]} {
    %get3A = arith.constant 0 : index
    %get3A_0 = arith.constant 0 : index
    %get3A_1 = vector.load %arg3[%get3A, %get3A_0] : memref<1000x1xf32, #tpu.memory_space<vmem>>, vector<1000x1xf32>
    %get3A_2 = arith.constant 0 : index
    %get3A_3 = arith.constant 0 : index
    %get3A_4 = arith.constant 0 : index
    %get3A_5 = vector.load %arg1[%get3A_2, %get3A_3, %get3A_4] : memref<2x1000x64xf32, #tpu.memory_space<vmem>>, vector<1x1000x64xf32>
    %get3A_6 = vector.shape_cast %get3A_5 : vector<1x1000x64xf32> to vector<1000x64xf32>
    %mul3A = vector.broadcast %get3A_1 : vector<1000x1xf32> to vector<1000x64xf32>
    %mul3A_7 = arith.mulf %get3A_6, %mul3A : vector<1000x64xf32>
    %get3A_8 = arith.constant 1 : index
    %get3A_9 = arith.constant 0 : index
    %get3A_10 = arith.constant 0 : index
    %get3A_11 = vector.load %arg1[%get3A_8, %get3A_9, %get3A_10] : memref<2x1000x64xf32, #tpu.memory_space<vmem>>, vector<1x1000x64xf32>
    %get3A_12 = vector.shape_cast %get3A_11 : vector<1x1000x64xf32> to vector<1000x64xf32>
    %mul3A_13 = vector.broadcast %get3A_1 : vector<1000x1xf32> to vector<1000x64xf32>
    %mul3A_14 = arith.mulf %get3A_12, %mul3A_13 : vector<1000x64xf32>
    %get3A_15 = arith.constant 0 : index
    %get3A_16 = arith.constant 0 : index
    %get3A_17 = vector.load %arg4[%get3A_15, %get3A_16] : memref<128x128xf32, #tpu.memory_space<vmem>>, vector<128x128xf32>
    %slice3A = vector.extract_strided_slice %get3A_17 {offsets = [0, 0], sizes = [64, 128], strides = [1, 1]} : vector<128x128xf32> to vector<64x128xf32>
    %dot_general3A = arith.constant dense<0.000000e+00> : vector<1000x128xf32>
    %dot_general3A_18 = tpu.matmul %mul3A_7, %slice3A, %dot_general3A {dimension_numbers = #tpu.dot_dimension_numbers<[1], [0], [0], [1], [0, 0, 1, 1], [], []>, transpose_lhs_hint = false} : vector<1000x64xf32>, vector<64x128xf32>, vector<1000x128xf32> -> vector<1000x128xf32>
    %get3A_19 = arith.constant 0 : index
    %get3A_20 = arith.constant 0 : index
    %get3A_21 = vector.load %arg4[%get3A_19, %get3A_20] : memref<128x128xf32, #tpu.memory_space<vmem>>, vector<128x128xf32>
    %slice3A_22 = vector.extract_strided_slice %get3A_21 {offsets = [64, 0], sizes = [64, 128], strides = [1, 1]} : vector<128x128xf32> to vector<64x128xf32>
    %dot_general3A_23 = arith.constant dense<0.000000e+00> : vector<1000x128xf32>
    %dot_general3A_24 = tpu.matmul %mul3A_14, %slice3A_22, %dot_general3A_23 {dimension_numbers = #tpu.dot_dimension_numbers<[1], [0], [0], [1], [0, 0, 1, 1], [], []>, transpose_lhs_hint = false} : vector<1000x64xf32>, vector<64x128xf32>, vector<1000x128xf32> -> vector<1000x128xf32>
    %add3A = arith.addf %dot_general3A_18, %dot_general3A_24 : vector<1000x128xf32>
    %get3A_25 = arith.constant 0 : index
    %get3A_26 = arith.constant 0 : index
    %get3A_27 = vector.load %arg2[%get3A_25, %get3A_26] : memref<1000x128xf32, #tpu.memory_space<vmem>>, vector<1000x128xf32>
    %mul3A_28 = arith.constant 5.000000e-01 : f32
    %mul3A_29 = vector.broadcast %mul3A_28 : f32 to vector<1000x128xf32>
    %mul3A_30 = arith.mulf %mul3A_29, %get3A_27 : vector<1000x128xf32>
    %mul3A_31 = arith.constant 5.000000e-01 : f32
    %mul3A_32 = vector.broadcast %mul3A_31 : f32 to vector<1000x128xf32>
    %mul3A_33 = arith.mulf %mul3A_32, %add3A : vector<1000x128xf32>
    %sub3A = arith.subf %mul3A_30, %mul3A_33 : vector<1000x128xf32>
    %swap3A = arith.constant 0 : index
    %swap3A_34 = arith.constant 0 : index
    %swap3A_35 = vector.load %arg5[%swap3A, %swap3A_34] : memref<1000x128xf32, #tpu.memory_space<vmem>>, vector<1000x128xf32>
    tpu.vector_store %arg5[%swap3A, %swap3A_34], %sub3A {strides = array<i32>} : memref<1000x128xf32, #tpu.memory_space<vmem>>, vector<1000x128xf32>,
    return
  }
  func.func @transform_0(%arg0: i32) -> (i32, i32, i32) {
    %c0_i32 = arith.constant 0 : i32
    %c0_i32_0 = arith.constant 0 : i32
    %c0_i32_1 = arith.constant 0 : i32
    return %c0_i32, %arg0, %c0_i32_0 : i32, i32, i32
  }
  func.func @transform_1(%arg0: i32) -> (i32, i32) {
    %c0_i32 = arith.constant 0 : i32
    %c0_i32_0 = arith.constant 0 : i32
    return %arg0, %c0_i32 : i32, i32
  }
  func.func @transform_2(%arg0: i32) -> (i32, i32) {
    %c0_i32 = arith.constant 0 : i32
    %c0_i32_0 = arith.constant 0 : i32
    return %arg0, %c0_i32 : i32, i32
  }
  func.func @transform_3(%arg0: i32) -> (i32, i32) {
    %c0_i32 = arith.constant 0 : i32
    %c0_i32_0 = arith.constant 0 : i32
    %c0_i32_1 = arith.constant 0 : i32
    return %c0_i32, %c0_i32_0 : i32, i32
  }
  func.func @transform_4(%arg0: i32) -> (i32, i32) {
    %c0_i32 = arith.constant 0 : i32
    %c0_i32_0 = arith.constant 0 : i32
    return %arg0, %c0_i32 : i32, i32
  }
}

</mosaic_0001>

<sc_bundles>
// kernel: kernel.5.cloned.1.call-start
scs
__scs_entry_jumppad:
0x0: {  	(pc) =	sbr.rel $0x88, $3  }
0x1: {  	(tag) =	ssettag $0x0;
	lr =	simm.s32 $0x1  }
0x2: {  	[smem:$0x3F9C] =	sst lr;
	_ =	strace $0xD0000000  }
0x3: {  	_ = 	snop  }
0x4: {  	_ = 	snop  }
0x5: {  	_ = 	snop  }
0x6: {  	_ = 	snop  }
0x7: {  	_ = 	snop  }
__scs_overlays_trampoline_lowered:
0x8: {  	[smem:$0x3FAB] =	sst s0  }
0x9: {  	[smem:$0x3FAC] =	sst s1  }
0xa: {  	[smem:$0x3FAD] =	sst s2  }
0xb: {  	[smem:$0x3FAE] =	sst s3  }
0xc: {  	[smem:$0x3FAF] =	sst s4  }
0xd: {  	[smem:$0x3FB0] =	sst s5  }
0xe: {  	[smem:$0x3FB1] =	sst s6  }
0xf: {  	[smem:$0x3FB2] =	sst s7  }
0x10: {  	[smem:$0x3FB3] =	sst s8  }
0x11: {  	[smem:$0x3FB4] =	sst s9;
	s0 =	simm.s32 @!p0 $0x0  }
0x12: {  	s1 =	sld [smem:$0x3F9A];
	s0 =	simm.s32 @p0 $0x1  }
0x13: {  	[smem:$0x3FB5] =	sst s0;
	s0 =	simm.s32 @!p1 $0x0  }
0x14: {  	s2 =	sld [smem:$0x3F99];
	s0 =	simm.s32 @p1 $0x1  }
0x15: {  	[smem:$0x3FB6] =	sst s0;
	s0 =	simm.s32 @!p2 $0x0  }
0x16: {  	s3 =	sld [smem:$0x3FDB];
	s0 =	simm.s32 @p2 $0x1  }
0x17: {  	s4 =	simm.s32 $0x1BF5;
	[smem:$0x3FB8] =	sst s0  }
0x18: {  	s0 =	sld [smem:$0x3F9B];
	_ =	swait.ge [sflag:s4], $0x0  }
0x19: {  	s7 =	sld [smem:$0x3F9C]  }
0x1a: {  	s8 =	sadd.s32 $0xFFFFE003, lr  }
0x1b: {  	s9 =	sadd.s32 $0xFFFFFEF7, lr;
	s5 =	simm.s32 $0xFFFFFFFF;
	p2 =	slt.u32 s8, $0xFFFFF086  }
0x1c: {  	p1 =	slt.u32 s9, $0xF7A;
	s5 =	simm.s32 @!p2 $0x0  }
0x1d: {  	s5 =	simm.s32 @p1 $0x1;
	p0 =	seq.s32 s7, s2  }
0x1e: {  	s7 =	smul.u32 @!p0 $0xF7A, s2;
	p2 =	seq.s32 @!p0 s5, $0x0  }
0x1f: {  	s9 =	smul.u32 $0xF7A, s1;
	s8 =	simm.s32 @!p0 $0x1BF5;
	p2 =	por !p2, p0  }
0x20: {  	[sflag:s8] =	ssyncset.s32 @!p0 $0xFFFFF086;
	s6 =	sadd.s32 @!p0 s3, s7;
	s7 =	simm.s32 @!p0 $0x108  }
0x21: {  	s3 =	sadd.s32 s3, s9;
	s6 =	sadd.s32 @!p0 $0x88, s6;
	s7 =	simm.s32 @p2 $0x1082  }
0x22: {  	[simem:s7], [sflag:s8] =	dma.local @!p0 [hbm:s6], $0xF7A  }
0x23: {  	s9 =	sor.u32 $0xD0000000, s2;
	s6 =	simm.s32 $0x108;
	_ =	swait.ge @!p0 [sflag:s8], $0x0  }
0x24: {  	s3 =	sadd.s32 $0x88, s3;
	s6 =	simm.s32 @!p1 $0x1082;
	[sflag:s4] =	ssyncset.s32 $0xFFFFF086  }
0x25: {  	[simem:s6], [sflag:s4] =	dma.local [hbm:s3], $0xF7A  }
0x26: {  	[smem:$0x3F9C] =	sst s1;
	(tag) =	ssettag s2;
	_ =	strace s9  }
0x27: {  	s1 =	sld [smem:$0x3FAC]  }
0x28: {  	s2 =	sld [smem:$0x3FAD]  }
0x29: {  	s4 =	sld [smem:$0x3FAF]  }
0x2a: {  	p0 =	seq.s32 s5, $0x0;
	s5 =	sld [smem:$0x3FB0]  }
0x2b: {  	s6 =	sld [smem:$0x3FB1]  }
0x2c: {  	s7 =	sld [smem:$0x3FB2]  }
0x2d: {  	s3 =	simm.s32 $0x108;
	s8 =	sld [smem:$0x3FB3]  }
0x2e: {  	s3 =	simm.s32 @!p0 $0x1082;
	s9 =	sld [smem:$0x3FB4]  }
0x2f: {  	lr =	sadd.s32 s0, s3;
	s0 =	sld [smem:$0x3FAB]  }
0x30: {  	s3 =	sld [smem:$0x3FAE]  }
0x31: {  	[smem:$0x3FB7] =	sst s10  }
0x32: {  	s10 =	sld [smem:$0x3FB5];
	_ =	sdelay $0x3  }
0x33: {  	p0 =	seq.s32 s10, $0x1;
	s10 =	sld [smem:$0x3FB7];
	_ =	sdelay $0x3  }
0x34: {  	[smem:$0x3FB7] =	sst s10  }
0x35: {  	s10 =	sld [smem:$0x3FB6];
	_ =	sdelay $0x3  }
0x36: {  	p1 =	seq.s32 s10, $0x1;
	s10 =	sld [smem:$0x3FB7];
	_ =	sdelay $0x3  }
0x37: {  	[smem:$0x3FB7] =	sst s10  }
0x38: {  	s10 =	sld [smem:$0x3FB8]  }
0x39: {  	_ = 	snop;
	(pc) =	sbr.ind lr, $3  }
0x3a: {  	_ = 	snop  }
0x3b: {  	_ = 	snop  }
0x3c: {  	p2 =	seq.s32 s10, $0x1;
	s10 =	sld [smem:$0x3FB7]  }
0x3d: {  	_ =	shalt  }
0x3e: {  	_ =	shalt  }
0x3f: {  	_ =	shalt  }
0x40: {  	_ =	shalt  }
0x41: {  	_ =	shalt  }
0x42: {  	_ =	shalt  }
0x43: {  	_ =	shalt  }
0x44: {  	_ =	shalt  }
0x45: {  	_ =	shalt  }
0x46: {  	_ =	shalt  }
0x47: {  	_ =	shalt  }
0x48: {  	_ =	shalt  }
0x49: {  	_ =	shalt  }
0x4a: {  	_ =	shalt  }
0x4b: {  	_ =	shalt  }
0x4c: {  	_ =	shalt  }
0x4d: {  	_ =	shalt  }
0x4e: {  	_ =	shalt  }
0x4f: {  	_ =	shalt  }
0x50: {  	_ =	shalt  }
0x51: {  	_ =	shalt  }
0x52: {  	_ =	shalt  }
0x53: {  	_ =	shalt  }
0x54: {  	_ =	shalt  }
0x55: {  	_ =	shalt  }
0x56: {  	_ =	shalt  }
0x57: {  	_ =	shalt  }
0x58: {  	_ =	shalt  }
0x59: {  	_ =	shalt  }
0x5a: {  	_ =	shalt  }
0x5b: {  	_ =	shalt  }
0x5c: {  	_ =	shalt  }
0x5d: {  	_ =	shalt  }
0x5e: {  	_ =	shalt  }
0x5f: {  	_ =	shalt  }
0x60: {  	_ =	shalt  }
0x61: {  	_ =	shalt  }
0x62: {  	_ =	shalt  }
0x63: {  	_ =	shalt  }
0x64: {  	_ =	shalt  }
0x65: {  	_ =	shalt  }
0x66: {  	_ =	shalt  }
0x67: {  	_ =	shalt  }
0x68: {  	_ =	shalt  }
0x69: {  	_ =	shalt  }
0x6a: {  	_ =	shalt  }
0x6b: {  	_ =	shalt  }
0x6c: {  	_ =	shalt  }
0x6d: {  	_ =	shalt  }
0x6e: {  	_ =	shalt  }
0x6f: {  	_ =	shalt  }
0x70: {  	_ =	shalt  }
0x71: {  	_ =	shalt  }
0x72: {  	_ =	shalt  }
0x73: {  	_ =	shalt  }
0x74: {  	_ =	shalt  }
0x75: {  	_ =	shalt  }
0x76: {  	_ =	shalt  }
0x77: {  	_ =	shalt  }
0x78: {  	_ =	shalt  }
0x79: {  	_ =	shalt  }
0x7a: {  	_ =	shalt  }
0x7b: {  	_ =	shalt  }
0x7c: {  	_ =	shalt  }
0x7d: {  	_ =	shalt  }
0x7e: {  	_ =	shalt  }
0x7f: {  	_ =	shalt  }
0x80: {  	_ =	shalt  }
0x81: {  	_ =	shalt  }
0x82: {  	_ =	shalt  }
0x83: {  	_ =	shalt  }
0x84: {  	_ =	shalt  }
0x85: {  	_ =	shalt  }
0x86: {  	_ =	shalt  }
0x87: {  	_ =	shalt  }
.Lfunc_end0:
.L_simem_size_0:
called_computation_lowered:
.L_overlay_start_0:
0x88: {  	s2 =	sld [smem:$0x3FD9]  }
0x89: {  	s3 =	sld [smem:$0x3FFE];
	_ =	sdelay $0x1  }
0x8a: {  	s1 =	srdreg.scid  }
0x8b: {  	s0 =	sand.u32 $0x1, s1  }
0x8c: {  	s17 =	sshll.u32 s0, $0xA;
	s2 =	sadd.s32 s3, s2  }
0x8d: {  	s2 =	sadd.s32 s2, s17  }
0x8e: {  	[smem:$0x3FC3] =	sst s2  }
0x8f: {  	_ = 	snop  }
0x90: {  	s2 =	sld [smem:$0x3FD0];
	(tm) =	ssettm $0x1  }
0x91: {  	s18 =	sld [smem:$0x3FFB];
	_ =	sdelay $0x3  }
0x92: {  	_ =	strace s18  }
0x93: {  	s3 =	sld [smem:$0x3FFC];
	_ =	sdelay $0x3  }
0x94: {  	_ =	strace s3  }
0x95: {  	s3 =	sld [smem:$0x3FFD];
	_ =	sdelay $0x3  }
0x96: {  	_ =	strace s3  }
0x97: {  	_ =	strace $0x8FFFFFFF  }
0x98: {  	s19 =	sld [smem:$0x3FDB];
	_ =	sdelay $0x1  }
0x99: {  	s4 =	simm.s32 $_scs_section_size  }
0x9a: {  	s5 =	simm.s32 $_size__tile_overlayer_lowered;
	s6 =	simm.s32 $_tile_overlayer_lowered  }
0x9b: {  	s22 =	simm.s32 $0x1BFF;
	s21 =	sshll.u32 s6, $0x1;
	s3 =	sadd.s32 s4, s19  }
0x9c: {  	s7 =	simm.s32 $0x0;
	s20 =	sshll.u32 s5, $0x1;
	s5 =	sadd.s32 s21, s3  }
0x9d: {  	[timem:s7], [sflag:s22] =	dma.local [hbm:s5], s20  }
0x9e: {  	_ =	swait.ge [sflag:s22], s20  }
0x9f: {  	s4 =	ssub.s32 $0x0, s20;
	[sflag:s22] =	ssyncset.done $0x0  }
0xa0: {  	[sflag:s22] =	ssyncadd.s32 s4;
	_ =	sdelay $0x1  }
0xa1: {  	s23 =	simm.s32 $0x1B8B  }
0xa2: {  	_ =	swait.ge [sflag:s23], $0x1  }
0xa3: {  	[sflag:s23] =	ssyncset.done $0x0  }
0xa4: {  	s25 =	simm.s32 $0x1B8E;
	s24 =	sld [smem:$0x3FFE];
	[sflag:s23] =	ssyncadd.s32 $0xFFFFFFFF  }
0xa5: {  	s26 =	simm.s32 $execute0_lowered;
	[smem:$0x3FD2] =	sst s25  }
0xa6: {  	s5 =	sshll.u32 s26, $0x1;
	_ =	strace $0x80000046;
	[dreg:$0x1] =	wrdreg $0xFFFFFFFF  }
0xa7: {  	s28 =	simm.s32 $_size_execute0_lowered;
	s3 =	sadd.s32 s3, s5;
	[dreg:$0x0] =	wrdreg $0x0  }
0xa8: {  	s5 =	sshll.u32 s28, $0x1;
	[dreg:$0x2] =	wrdreg s3  }
0xa9: {  	[dreg:$0x3] =	wrdreg s5  }
0xaa: {  	[dreg:$0x4] =	wrdreg $0xC0  }
0xab: {  	_ =	task [dreg:s7], $0x5FFFF  }
0xac: {  	[dreg:$0x1] =	wrdreg $0xFFFFFFFF  }
0xad: {  	[dreg:$0x0] =	wrdreg $0x60  }
0xae: {  	[dreg:$0x2] =	wrdreg s2  }
0xaf: {  	[dreg:$0x3] =	wrdreg s24  }
0xb0: {  	[dreg:$0x4] =	wrdreg $0xDE000  }
0xb1: {  	[dreg:$0x5] =	wrdreg $0x9  }
0xb2: {  	_ =	task.clear_ibuf [dreg:s7], $0x6FFFF;
	_ =	strace $0x90000046  }
0xb3: {  	s29 =	simm.s32 $0x9;
	_ =	strace $0x80000048  }
0xb4: {  	_ =	swait.ge [sflag:s29], $0x1  }
0xb5: {  	[sflag:s29] =	ssyncadd.s32 $0xFFFFFFFF  }
0xb6: {  	_ =	strace $0x90000048  }
0xb7: {  	_ =	sfence  }
0xb8: {  	s30 =	sld [smem:$0x0];
	_ =	sdelay $0x2  }
0xb9: {  	s31 =	sshll.u32 s1, $0xD;
	s1 =	sshrl.u32 s1, $0x2  }
0xba: {  	s3 =	sand.u32 $0x4000, s31;
	s1 =	sadd.s32 s1, s30  }
0xbb: {  	s0 =	sor.u32 s3, s0;
	s1 =	sshll.u32 s1, $0x11  }
0xbc: {  	s0 =	sor.u32 s1, s0  }
0xbd: {  	s0 =	sadd.s32 $0x8F2B, s0  }
0xbe: {  	[sflag:s0] =	ssyncadd.remote.s32 $0x1  }
0xbf: {  	_ =	sfence.sel $0xFFFF  }
0xc0: {  	[dreg:$0x0] =	wrdreg $0xFFFFFFFF;
	(pc) =	sbr.abs _section_cstart, $3  }
0xc1: {  	[dreg:$0x1] =	wrdreg $0xFFFFFFFF  }
0xc2: {  	_ =	task.clear_ibuf [dreg:s7], $0x2FFFF;
	_ =	strace $0x9FFFFFFF  }
0xc3: {  	(tm) =	ssettm $0x7FFFFFFF  }
tec
execute0_lowered:
.L_overlay_start_1:
0x0: {  	(tag) =	ssettag $0x1  }
0x1: {  	s2 =	rddreg [dreg:$0x0]  }
0x2: {  	s5 =	rddreg [dreg:$0x1]  }
0x3: {  	s3 =	rddreg [dreg:$0x2]  }
0x4: {  	s0 =	rddreg [dreg:$0x3]  }
0x5: {  	s1 =	stileid.u32;
	s6 =	srdreg.scid;
	s4 =	simm.s32 $0x0  }
0x6: {  	s15 =	simm.s32 $0x4E80;
	s16 =	simm.s32 $0x9E00;
	s17 =	simm.s32 $0x80  }
0x7: {  	s18 =	simm.s32 $0x9D00;
	s19 =	simm.s32 $0x9D80;
	s7 =	smul.u32 $0x9E00, s1  }
0x8: {  	s20 =	simm.s32 $0xBE00;
	s22 =	simm.s32 $0x2;
	s9 =	smul.u32 $0x9D0, s1  }
0x9: {  	s6 =	sand.u32 $0x1, s6;
	[smem:$0x7FF] =	sst s4;
	s11 =	smul.u32 $0x27800, s1  }
0xa: {  	s23 =	simm.s32 $0x0;
	s8 =	smul.u32 $0x9E000, s6;
	_ =	strace $0x80000047  }
0xb: {  	s10 =	ssub.s32 $0x2, s6;
	s21 =	smul.u32 $0x2710, s6;
	s9 =	sadd.s32 s9, s5  }
0xc: {  	s12 =	sshrl.u32 s10, $0x1;
	s31 =	sshrl.u32 s11, $0x2;
	s8 =	sadd.s32 s7, s8  }
0xd: {  	s14 =	ssub.s32 s10, s12;
	s11 =	sadd.s32 s31, s3;
	s6 =	sadd.s32 $0x600, s9  }
0xe: {  	s7 =	sadd.s32 s7, s3;
	v0 =	vmov s21;
	s21 =	simm.s32 $0x1;
	s8 =	sshrl.u32 s8, $0x3  }
0xf: {  	s10 =	sadd.s32 $0x6000, s11;
	s13 =	sadd.s32 s8, s5;
	s5 =	sadd.s32 $0xA400, s9  }
0x10: {  	s8 =	sadd.s32 $0x2000, s11;
	s9 =	sadd.s32 $0x4000, s11;
	s11 =	sadd.s32 $0x8000, s11  }
0x11: {  	v1 =	vimm.f32 $0.0e+00;
	s12 =	sadd.s32 $0x14200, s13;
	s13 =	smax.u32 s14, $0x1;
	s14 =	simm.s32 $0x3  }
.LBB2_1:
0x12: {  	[tilespmem:s4], [sflag:$0x3] =	stream.linear.gather [hbm4b:s5+s4], $0x4E80, $0x38;
	[tilespmem:$0x17C00] =	vst v63  }
0x13: {  	_ =	swait.ge [sflag:s14], $0x4E80  }
0x14: {  	[sflag:s14] =	ssyncset.done $0x0  }
0x15: {  	[sflag:s14] =	ssyncadd.s32 $0xFFFFB180  }
0x16: {  	[tilespmem:s15], [sflag:$0x3] =	stream.linear.gather [hbm4b:s6+s4], $0x4E80, $0x38;
	[tilespmem:$0x17C00] =	vst v63  }
0x17: {  	_ =	swait.ge [sflag:s14], $0x4E80  }
0x18: {  	[sflag:s14] =	ssyncset.done $0x0  }
0x19: {  	s25 =	simm.s32 $0x100;
	s24 =	simm.s32 $0x0;
	[sflag:s14] =	ssyncadd.s32 $0xFFFFB180  }
.LBB2_2:
0x1a: {  	p0 =	sne.s32 s25, $0x7F00;
	[tilespmem:s24+$0x9E30] =	vst v1;
	s26 =	smov.u32 s25;
	s25 =	sadd.s32 $0x100, s25  }
.Ltmp0:
0x1b: {  	[tilespmem:s24+$0x9E20] =	vst v1;
	(pc) =	sbr.rel @p0 .LBB2_2-.Ltmp0, $3  }
0x1c: {  	[tilespmem:s24+$0x9E00] =	vst v1  }
0x1d: {  	[tilespmem:s24+$0x9E10] =	vst v1;
	_ =	sdelay $0x1  }
0x1e: {  	s24 =	sshra.s32 s26, $0x2  }
0x1f: {  	[tilespmem:s24+$0x9E30] =	vst v1  }
0x20: {  	[tilespmem:s24+$0x9E20] =	vst v1  }
0x21: {  	[tilespmem:s24+$0x9E00] =	vst v1  }
0x22: {  	[tilespmem:s24+$0x9E10] =	vst v1  }
0x23: {  	[spmem:s7] =	stream.linear.scatter [tilespmem:s16], [sflag:$0x3], $0x2000, $0x38;
	[tilespmem:$0x17C00] =	vst v63  }
0x24: {  	_ =	swait.ge [sflag:s14], $0x2000  }
0x25: {  	[sflag:s14] =	ssyncset.done $0x0  }
0x26: {  	[sflag:s14] =	ssyncadd.s32 $0xFFFFE000  }
0x27: {  	[spmem:s8] =	stream.linear.scatter [tilespmem:s16], [sflag:$0x3], $0x2000, $0x38;
	[tilespmem:$0x17C00] =	vst v63  }
0x28: {  	_ =	swait.ge [sflag:s14], $0x2000  }
0x29: {  	[sflag:s14] =	ssyncset.done $0x0  }
0x2a: {  	[sflag:s14] =	ssyncadd.s32 $0xFFFFE000  }
0x2b: {  	[spmem:s9] =	stream.linear.scatter [tilespmem:s16], [sflag:$0x3], $0x2000, $0x38;
	[tilespmem:$0x17C00] =	vst v63  }
0x2c: {  	_ =	swait.ge [sflag:s14], $0x2000  }
0x2d: {  	[sflag:s14] =	ssyncset.done $0x0  }
0x2e: {  	[sflag:s14] =	ssyncadd.s32 $0xFFFFE000  }
0x2f: {  	[spmem:s10] =	stream.linear.scatter [tilespmem:s16], [sflag:$0x3], $0x2000, $0x38;
	[tilespmem:$0x17C00] =	vst v63  }
0x30: {  	_ =	swait.ge [sflag:s14], $0x2000  }
0x31: {  	[sflag:s14] =	ssyncset.done $0x0  }
0x32: {  	[sflag:s14] =	ssyncadd.s32 $0xFFFFE000  }
0x33: {  	[spmem:s11] =	stream.linear.scatter [tilespmem:s16], [sflag:$0x3], $0x1E00, $0x38;
	[tilespmem:$0x17C00] =	vst v63  }
0x34: {  	_ =	swait.ge [sflag:s14], $0x1E00  }
0x35: {  	[sflag:s14] =	ssyncset.done $0x0  }
0x36: {  	[sflag:s14] =	ssyncadd.s32 $0xFFFFE200  }
0x37: {  	s24 =	simm.s32 $0x0;
	[bflag:$0x0] =	sbarrier.arrive $0xFFFF  }
.LBB2_4:
0x38: {  	s25 =	sshll.u32 s24, $0x7  }
0x39: {  	v2 =	vld [tilespmem:s25+$0x0];
	_ =	sdelay $0x4  }
0x3a: {  	v2 =	vadd.s32 v0, v2  }
0x3b: {  	[tilespmem:$0x9D00] =	vst v2  }
0x3c: {  	v2 =	vld [tilespmem:s25+$0x4E80];
	_ =	sdelay $0x4  }
0x3d: {  	v2 =	vadd.s32 v0, v2  }
0x3e: {  	[tilespmem:$0x9D80] =	vst v2  }
0x3f: {  	v2 =	vld [tilespmem:s25+$0x10];
	_ =	sdelay $0x4  }
0x40: {  	v2 =	vadd.s32 v0, v2  }
0x41: {  	[tilespmem:$0x9D10] =	vst v2  }
0x42: {  	v2 =	vld [tilespmem:s25+$0x4E90];
	_ =	sdelay $0x4  }
0x43: {  	v2 =	vadd.s32 v0, v2  }
0x44: {  	[tilespmem:$0x9D90] =	vst v2  }
0x45: {  	v2 =	vld [tilespmem:s25+$0x20];
	_ =	sdelay $0x4  }
0x46: {  	v2 =	vadd.s32 v0, v2  }
0x47: {  	[tilespmem:$0x9D20] =	vst v2  }
0x48: {  	v2 =	vld [tilespmem:s25+$0x4EA0];
	_ =	sdelay $0x4  }
0x49: {  	v2 =	vadd.s32 v0, v2  }
0x4a: {  	[tilespmem:$0x9DA0] =	vst v2  }
0x4b: {  	v2 =	vld [tilespmem:s25+$0x30];
	_ =	sdelay $0x4  }
0x4c: {  	v2 =	vadd.s32 v0, v2  }
0x4d: {  	[tilespmem:$0x9D30] =	vst v2  }
0x4e: {  	v2 =	vld [tilespmem:s25+$0x4EB0];
	_ =	sdelay $0x4  }
0x4f: {  	v2 =	vadd.s32 v0, v2  }
0x50: {  	[tilespmem:$0x9DB0] =	vst v2  }
0x51: {  	v2 =	vld [tilespmem:s25+$0x40];
	_ =	sdelay $0x4  }
0x52: {  	v2 =	vadd.s32 v0, v2  }
0x53: {  	[tilespmem:$0x9D40] =	vst v2  }
0x54: {  	v2 =	vld [tilespmem:s25+$0x4EC0];
	_ =	sdelay $0x4  }
0x55: {  	v2 =	vadd.s32 v0, v2  }
0x56: {  	[tilespmem:$0x9DC0] =	vst v2  }
0x57: {  	v2 =	vld [tilespmem:s25+$0x50];
	_ =	sdelay $0x4  }
0x58: {  	v2 =	vadd.s32 v0, v2  }
0x59: {  	[tilespmem:$0x9D50] =	vst v2  }
0x5a: {  	v2 =	vld [tilespmem:s25+$0x4ED0];
	_ =	sdelay $0x4  }
0x5b: {  	v2 =	vadd.s32 v0, v2  }
0x5c: {  	[tilespmem:$0x9DD0] =	vst v2  }
0x5d: {  	v2 =	vld [tilespmem:s25+$0x60];
	_ =	sdelay $0x4  }
0x5e: {  	v2 =	vadd.s32 v0, v2  }
0x5f: {  	[tilespmem:$0x9D60] =	vst v2  }
0x60: {  	v2 =	vld [tilespmem:s25+$0x4EE0];
	_ =	sdelay $0x4  }
0x61: {  	v2 =	vadd.s32 v0, v2  }
0x62: {  	[tilespmem:$0x9DE0] =	vst v2  }
0x63: {  	v2 =	vld [tilespmem:s25+$0x70];
	_ =	sdelay $0x4  }
0x64: {  	v2 =	vadd.s32 v0, v2  }
0x65: {  	[tilespmem:$0x9D70] =	vst v2  }
0x66: {  	v2 =	vld [tilespmem:s25+$0x4EF0];
	_ =	sdelay $0x4  }
0x67: {  	v2 =	vadd.s32 v0, v2  }
0x68: {  	[tilespmem:$0x9DF0] =	vst v2  }
0x69: {  	[tilespmem:s16], [sflag:$0x1] =	stream.indirect.gather [hbm4b:s2+s17], $0x40, s18, s17, $0xb8;
	[tilespmem:$0x17C00] =	vst v63  }
0x6a: {  	_ = 	snop  }
0x6b: {  	[tilespmem:s20], [sflag:$0x2] =	stream.indirect.gather [hbm4b:s2+s17], $0x40, s19, s17, $0xb8;
	[tilespmem:$0x17C00] =	vst v63  }
0x6c: {  	_ =	swait.ge [sflag:s21], $0x2000  }
0x6d: {  	[sflag:s21] =	ssyncset.done $0x0  }
0x6e: {  	[sflag:s21] =	ssyncadd.s32 $0xFFFFE000  }
0x6f: {  	_ =	swait.ge [sflag:s22], $0x2000  }
0x70: {  	[sflag:s22] =	ssyncset.done $0x0  }
0x71: {  	s26 =	simm.s32 $0x0;
	[sflag:s22] =	ssyncadd.s32 $0xFFFFE000  }
0x72: {  	v5 =	vld [tilespmem:s26+$0x9E30]  }
0x73: {  	v7 =	vld [tilespmem:s26+$0xBE30];
	_ =	sdelay $0x1  }
0x74: {  	v3 =	vld [tilespmem:s26+$0x9E00]  }
0x75: {  	v4 =	vld [tilespmem:s26+$0x9E10]  }
0x76: {  	v2 =	vld [tilespmem:s26+$0x9E20]  }
0x77: {  	v6 =	vld [tilespmem:s26+$0xBE00];
	v8 =	vsub.f32 v5, v7  }
0x78: {  	v7 =	vld [tilespmem:s26+$0xBE10]  }
0x79: {  	s29 =	simm.s32 $0x100;
	s28 =	sadd.s32 $0x4E80, s25;
	v5 =	vld [tilespmem:s26+$0xBE20];
	v8 =	vmax.f32 v8, $0.0e+00  }
.LBB2_5:
0x7a: {  	p0 =	sne.s32 s29, $0x7F00;
	[tilespmem:s26+$0x9E30] =	vst v8;
	s30 =	smov.u32 s29;
	s29 =	sadd.s32 $0x100, s29  }
0x7b: {  	v8 =	vsub.f32 $0.0e+00, v8;
	s30 =	sshra.s32 s30, $0x2  }
0x7c: {  	v3 =	vsub.f32 v3, v6  }
0x7d: {  	v9 =	vld [tilespmem:s30+$0x9E30];
	v4 =	vsub.f32 v4, v7;
	[tilespmem:s26+$0xBE30] =	vst v8  }
0x7e: {  	v7 =	vld [tilespmem:s30+$0xBE30];
	v3 =	vmax.f32 v3, $0.0e+00;
	v2 =	vsub.f32 v2, v5  }
0x7f: {  	[tilespmem:s26+$0x9E00] =	vst v3;
	v5 =	vsub.f32 $0.0e+00, v3;
	v4 =	vmax.f32 v4, $0.0e+00  }
0x80: {  	v3 =	vld [tilespmem:s30+$0x9E00];
	[tilespmem:s26+$0x9E10] =	vst v4;
	v8 =	vsub.f32 $0.0e+00, v4;
	v2 =	vmax.f32 v2, $0.0e+00  }
.Ltmp1:
0x81: {  	v4 =	vld [tilespmem:s30+$0x9E10];
	[tilespmem:s26+$0x9E20] =	vst v2;
	v10 =	vsub.f32 $0.0e+00, v2;
	(pc) =	sbr.rel @p0 .LBB2_5-.Ltmp1, $4  }
0x82: {  	v2 =	vld [tilespmem:s30+$0x9E20];
	[tilespmem:s26+$0xBE00] =	vst v5  }
0x83: {  	v6 =	vld [tilespmem:s30+$0xBE00];
	v9 =	vsub.f32 v9, v7;
	[tilespmem:s26+$0xBE10] =	vst v8  }
0x84: {  	v7 =	vld [tilespmem:s30+$0xBE10];
	[tilespmem:s26+$0xBE20] =	vst v10;
	s26 =	smov.u32 s30  }
0x85: {  	v5 =	vld [tilespmem:s26+$0xBE20];
	v8 =	vmax.f32 v9, $0.0e+00  }
0x86: {  	_ =	sdelay $0x1  }
0x87: {  	v63 =	vsub.f32 $0.0e+00, v8;
	v3 =	vsub.f32 v3, v6  }
0x88: {  	[tilespmem:s26+$0x9E30] =	vst v8;
	v4 =	vsub.f32 v4, v7  }
0x89: {  	[tilespmem:s26+$0xBE30] =	vst v63;
	v3 =	vmax.f32 v3, $0.0e+00;
	v2 =	vsub.f32 v2, v5  }
0x8a: {  	[tilespmem:s26+$0x9E00] =	vst v3;
	v4 =	vmax.f32 v4, $0.0e+00  }
0x8b: {  	v3 =	vsub.f32 $0.0e+00, v3;
	[tilespmem:s26+$0x9E10] =	vst v4;
	v2 =	vmax.f32 v2, $0.0e+00  }
0x8c: {  	v4 =	vsub.f32 $0.0e+00, v4;
	[tilespmem:s26+$0x9E20] =	vst v2  }
0x8d: {  	v2 =	vsub.f32 $0.0e+00, v2;
	[tilespmem:s26+$0xBE00] =	vst v3  }
0x8e: {  	[tilespmem:s26+$0xBE10] =	vst v4  }
0x8f: {  	[tilespmem:s26+$0xBE20] =	vst v2  }
0x90: {  	[spmem:s3] =	stream.indirect.scatter.add.f32 [tilespmem:s16], [sflag:$0x3], $0x40, s25, s17, $0xb8;
	[tilespmem:$0x17C00] =	vst v63  }
0x91: {  	s24 =	sadd.s32 $0x1, s24;
	_ =	swait.ge [sflag:s14], $0x2000  }
0x92: {  	p0 =	sne.s32 s24, $0x9D;
	[sflag:s14] =	ssyncset.done $0x0  }
.Ltmp2:
0x93: {  	[sflag:s14] =	ssyncadd.s32 $0xFFFFE000;
	(pc) =	sbr.rel @p0 .LBB2_4-.Ltmp2, $4  }
0x94: {  	[spmem:s3] =	stream.indirect.scatter.add.f32 [tilespmem:s20], [sflag:$0x3], $0x40, s28, s17, $0xb8;
	[tilespmem:$0x17C00] =	vst v63  }
0x95: {  	_ =	swait.ge [sflag:s14], $0x2000  }
0x96: {  	[sflag:s14] =	ssyncset.done $0x0  }
0x97: {  	[sflag:s14] =	ssyncadd.s32 $0xFFFFE000  }
0x98: {  	s23 =	sadd.s32 $0x1, s23  }
0x99: {  	s24 =	sshll.u32 s1, $0x6;
	[bflag:$0x0] =	sbarrier.arrive $0xFFFF;
	p0 =	sne.s32 s23, s13  }
.Ltmp3:
0x9a: {  	s25 =	sshrl.u32 s7, $0x3;
	s24 =	sor.u32 $0x1C03, s24;
	(pc) =	sbr.rel @p0 .LBB2_1-.Ltmp3, $4  }
0x9b: {  	[hbm:s12], [sflag:s24] =	dma.local [spmem:s25], $0x13C0  }
0x9c: {  	_ =	swait.ge [sflag:s14], $0x13C0  }
0x9d: {  	[sflag:s14] =	ssyncset.done $0x0  }
0x9e: {  	[sflag:s14] =	ssyncadd.s32 $0xFFFFEC40  }
0x9f: {  	_ =	sfence.sel $0x180000  }
0xa0: {  	[bflag:$0x0] =	sbarrier.arrive $0xFFFF  }
0xa1: {  	p0 =	sne.s32 s1, $0x0;
	_ =	strace $0x90000047  }
0xa2: {  	s0 =	sadd.s32 @!p0 $0x100000, s0;
	[bflag:$0x2] =	sbarrier.arrive $0xFFFF  }
0xa3: {  	[sflag:s0] =	ssyncadd.tile.s32 @!p0 $0x1;
	_ =	shalt  }
.Lfunc_end2:
_tile_overlayer_lowered:
.L_overlay_start_2:
0xa4: {  	(tag) =	ssettag $0x2  }
0xa5: {  	s0 =	rddreg [dreg:$0x0];
	s2 =	stileid.u32  }
0xa6: {  	s1 =	rddreg [dreg:$0x1];
	p0 =	sne.s32 s2, $0x0  }
0xa7: {  	s3 =	rddreg [dreg:$0x2];
	[bflag:$0x3] =	sbarrier.arrive $0xFFFF;
	s2 =	simm.s32 @!p0 $0x1C03  }
0xa8: {  	[timem:s3], [sflag:s2] =	dma.local @!p0 [hbm:s0], s1  }
0xa9: {  	s0 =	simm.s32 @!p0 $0x3  }
0xaa: {  	_ =	swait.ge @!p0 [sflag:s0], s1  }
0xab: {  	s1 =	ssub.s32 @!p0 $0x0, s1;
	[sflag:s0] =	ssyncset.done @!p0 $0x0  }
0xac: {  	[sflag:s0] =	ssyncadd.s32 @!p0 s1  }
0xad: {  	[bflag:$0x3] =	sbarrier.arrive $0xFFFF  }
0xae: {  	_ =	shalt  }

</sc_bundles>
